<compile_context>
chip_gen: v7x
topology: tpu7x:2x2x1
jax: 0.10.2.dev20260603
libtpu: 0.0.44.dev20260713+nightly
codegen_flags: <defaults>
</compile_context>

<pallas_src>
import functools

import jax
import jax.numpy as jnp
from jax import lax
from jax.experimental import pallas as pl
from jax.experimental.pallas import tpu as pltpu
from jax.experimental.pallas import tpu_sc as plsc

SR = 16000
L = 512
B = 16
T = 64000
NWT = 10
CHUNK = 16000

TOTAL = B * T
NW = 32
SPAN = TOTAL // NW
SUB = 16000
NSUB = SPAN // SUB
VEC = 16
MAXFRAC = float(L) - 2.0 ** -11


def _tc_prep_body(pitch_ref, wt_ref, att_ref, packed_ref, e_ref, carry_ref):
    step = pl.program_id(0)

    @pl.when(step == 0)
    def _init():
        carry_ref[...] = jnp.zeros((B, 1), jnp.float32)
        c = wt_ref[:, 0, :] * att_ref[:, 0:1]
        for w in range(1, NWT):
            c = c + wt_ref[:, w, :] * att_ref[:, w:w + 1]
        d = jnp.concatenate([c[:, 1:], c[:, :1]], axis=1) - c
        cbits = lax.bitcast_convert_type(
            c.astype(jnp.bfloat16).astype(jnp.float32), jnp.int32)
        dbits = lax.bitcast_convert_type(
            d.astype(jnp.bfloat16).astype(jnp.float32), jnp.int32)
        e_ref[...] = (lax.shift_right_logical(cbits, 16)
                      | (dbits & jnp.int32(-65536)))

    inc = pitch_ref[...] * (float(L) / float(SR))
    cs = inc
    k = 1
    while k < CHUNK:
        cs = cs + jnp.concatenate(
            [jnp.zeros((B, k), jnp.float32), cs[:, :CHUNK - k]], axis=1)
        k *= 2
    cs = cs + carry_ref[...]
    carry_ref[...] = cs[:, CHUNK - 1:CHUNK]

    idx = cs - inc[1:2, :]
    m = jnp.maximum(idx - float(L) * jnp.floor(idx * (1.0 / float(L))), 0.0)
    rowbase = (lax.broadcasted_iota(jnp.int32, (B, CHUNK), 0) * L
               ).astype(jnp.float32)
    packed_ref[...] = jnp.minimum(rowbase + m, rowbase + MAXFRAC)


_tc_prep = pl.pallas_call(
    _tc_prep_body,
    grid=(T // CHUNK,),
    in_specs=[
        pl.BlockSpec((B, CHUNK), lambda s: (0, s)),
        pl.BlockSpec((B, NWT, L), lambda s: (0, 0, 0)),
        pl.BlockSpec((B, NWT), lambda s: (0, 0)),
    ],
    out_specs=[
        pl.BlockSpec((B, CHUNK), lambda s: (0, s)),
        pl.BlockSpec((B, L), lambda s: (0, 0)),
    ],
    out_shape=[
        jax.ShapeDtypeStruct((B, T), jnp.float32),
        jax.ShapeDtypeStruct((B, L), jnp.int32),
    ],
    scratch_shapes=[pltpu.VMEM((B, 1), jnp.float32)],
    compiler_params=pltpu.CompilerParams(
        dimension_semantics=("arbitrary",)),
)


@functools.cache
def _build_sc_gather():
    mesh = plsc.VectorSubcoreMesh(core_axis_name="c", subcore_axis_name="s",
                                  num_cores=2, num_subcores=16)

    @functools.partial(
        pl.kernel,
        out_type=jax.ShapeDtypeStruct((TOTAL,), jnp.float32),
        mesh=mesh,
        scratch_types=[
            pltpu.VMEM((B * L,), jnp.int32),
            pltpu.VMEM((SUB,), jnp.float32),
            pltpu.VMEM((SUB,), jnp.float32),
            pltpu.VMEM((SUB,), jnp.float32),
            pltpu.VMEM((SUB,), jnp.float32),
            pltpu.VMEM((SUB,), jnp.float32),
            pltpu.VMEM((SUB,), jnp.float32),
            pltpu.SemaphoreType.DMA,
            pltpu.SemaphoreType.DMA,
            pltpu.SemaphoreType.DMA,
            pltpu.SemaphoreType.DMA,
            pltpu.SemaphoreType.DMA,
        ],
        compiler_params=pltpu.CompilerParams(needs_layout_passes=False,
                                             use_tc_tiling_on_sc=True),
    )
    def _sc_gather(packed_hbm, amp_hbm, e_hbm, out_hbm,
                   ev, pv0, pv1, mv0, mv1, ov0, ov1,
                   tsem, isem0, isem1, osem0, osem1):
        wid = lax.axis_index("s") * 2 + lax.axis_index("c")
        row = wid // 2
        col0 = (wid % 2) * SPAN
        base = row * T + col0
        pvs, mvs, ovs = (pv0, pv1), (mv0, mv1), (ov0, ov1)
        isems = (isem0, isem1)
        osems = (osem0, osem1)
        etb = pltpu.async_copy(e_hbm, ev, tsem)

        def start_in(g, slot):
            start = base + g * SUB
            return (
                pltpu.async_copy(
                    packed_hbm.at[row, pl.ds(col0 + g * SUB, SUB)],
                    pvs[slot], isems[slot]),
                pltpu.async_copy(amp_hbm.at[pl.ds(start, SUB)],
                                 mvs[slot], isems[slot]),
            )

        pending = {0: start_in(0, 0)}
        outcopies = {}
        etb.wait()
        for g in range(NSUB):
            slot = g & 1
            if g + 1 < NSUB:
                pending[g + 1] = start_in(g + 1, (g + 1) & 1)
            for cp in pending.pop(g):
                cp.wait()
            if g >= 2:
                outcopies.pop(g - 2).wait()
            pslot, mslot, oslot = pvs[slot], mvs[slot], ovs[slot]

            @plsc.parallel_loop(0, SUB, step=VEC, unroll=8)
            def _vec(c0):
                p = pslot[pl.ds(c0, VEC)]
                iv = p.astype(jnp.int32)
                a = p - iv.astype(jnp.float32)
                cd = plsc.load_gather(ev, [iv])
                lo = plsc.bitcast(lax.shift_left(cd, 16), jnp.float32)
                sl = plsc.bitcast(cd & jnp.int32(-65536), jnp.float32)
                amp = mslot[pl.ds(c0, VEC)]
                oslot[pl.ds(c0, VEC)] = amp * (lo + a * sl)

            outcopies[g] = pltpu.async_copy(
                oslot, out_hbm.at[pl.ds(base + g * SUB, SUB)], osems[slot])
        for g in sorted(outcopies):
            outcopies[g].wait()

    return _sc_gather


def kernel(pitch, amplitude, wavetables, attention):
    packed, e = _tc_prep(pitch, wavetables, attention)
    sc_gather = _build_sc_gather()
    out = sc_gather(packed, amplitude.reshape(-1), e.reshape(-1))
    return out.reshape(B, T, 1), attention

# --- scband reference (transcript-rebuilt; emitter-appended) ---
"""Pipeline reference for scband-wavetable-synth-v2-72224170050168 (READ-ONLY COPY).

The authoritative reference and input builder live on the scoring server;
editing this copy changes nothing except your own understanding.
"""

import jax, jax.numpy as jnp
import numpy as np

SR = 16000
DUR = 4
BLOCK = 160


def upsample(signal, factor):
    # signal: (B, frames, C). torch F.interpolate(mode='nearest') with size=frames*factor
    # is exact nearest-neighbor repetition for integer factor.
    return jnp.repeat(signal, factor, axis=1)


def wavetable_osc_v2(wavetable, freq, sr):
    # wavetable: (bs, L), freq: (bs, T)
    L = wavetable.shape[1]
    increment = freq / sr * L
    # NOTE: faithful to original code, which subtracts batch row 1 of increment
    index = jnp.cumsum(increment, axis=1) - increment[1]
    index = index % L
    index_low = jnp.floor(index)
    index_high = jnp.ceil(index)
    alpha = index - index_low
    il = index_low.astype(jnp.int32)
    ih = index_high.astype(jnp.int32) % L
    low = jnp.take_along_axis(wavetable, il, axis=1)
    high = jnp.take_along_axis(wavetable, ih, axis=1)
    signal = low + alpha * (high - low)
    return signal


def setup_inputs(seed: int = 0) -> dict:
    key = jax.random.key(seed)
    k1, k2, k3, k4 = jax.random.split(key, 4)
    pitch = jax.random.uniform(k1, (16, 64000), dtype=jnp.float32)
    amplitude = jax.random.uniform(k2, (16, 64000, 1), dtype=jnp.float32)
    wavetables = jax.random.normal(k3, (16, 10, 512), dtype=jnp.float32)
    attention = jax.random.uniform(k4, (16, 10), dtype=jnp.float32)
    return {"pitch": pitch, "amplitude": amplitude, "wavetables": wavetables, "attention": attention}


def reference(pitch, amplitude, wavetables, attention):
    outs = []
    for wt_idx in range(wavetables.shape[1]):
        wt = wavetables[:, wt_idx, :]
        outs.append(wavetable_osc_v2(wt, pitch, SR))
    # attention upsample: (bs, nwt) -> (bs, nwt, 100*DUR)
    att_up = jnp.stack([attention] * (100 * DUR), axis=-1)
    att_up = jnp.transpose(att_up, (1, 2, 0))  # (nwt, frames, bs)
    att_up = upsample(att_up, BLOCK)           # (nwt, frames*BLOCK, bs)
    # shape[0] == nwt == 10 != 1 -> squeeze() is a no-op (no unit dims)
    att_up = jnp.transpose(att_up, (2, 0, 1))  # (bs, nwt, T)
    output_waveform = jnp.stack(outs, axis=1)  # (bs, nwt, T)
    output_waveform = output_waveform * att_up
    output_waveform_after = jnp.sum(output_waveform, axis=1)[..., None]  # (bs, T, 1)
    output_waveform_after = output_waveform_after * amplitude
    return (output_waveform_after, attention)

if __name__ == "__main__":
    import jax
    _d = setup_inputs()
    print(jax.jit(kernel)(*tuple(_d.values())))

</pallas_src>

<mosaic_0001>
#map = affine_map<(d0, d1) -> (0, 0)>
#map1 = affine_map<(d0, d1) -> (0)>
module attributes {stable_mosaic.version = 14 : i64} {
  func.func @_sc_gather(%arg0: i32, %arg1: i32, %arg2: memref<16x64000xf32, #tpu.memory_space<hbm>>, %arg3: memref<1024000xf32, #tpu.memory_space<hbm>>, %arg4: memref<8192xi32, #tpu.memory_space<hbm>>, %arg5: memref<1024000xf32, #tpu.memory_space<hbm>>, %arg6: memref<8192xi32, #tpu.memory_space<vmem>>, %arg7: memref<16000xf32, #tpu.memory_space<vmem>>, %arg8: memref<16000xf32, #tpu.memory_space<vmem>>, %arg9: memref<16000xf32, #tpu.memory_space<vmem>>, %arg10: memref<16000xf32, #tpu.memory_space<vmem>>, %arg11: memref<16000xf32, #tpu.memory_space<vmem>>, %arg12: memref<16000xf32, #tpu.memory_space<vmem>>, %arg13: memref<!tpu.dma_semaphore, #tpu.memory_space<semaphore_mem>>, %arg14: memref<!tpu.dma_semaphore, #tpu.memory_space<semaphore_mem>>, %arg15: memref<!tpu.dma_semaphore, #tpu.memory_space<semaphore_mem>>, %arg16: memref<!tpu.dma_semaphore, #tpu.memory_space<semaphore_mem>>, %arg17: memref<!tpu.dma_semaphore, #tpu.memory_space<semaphore_mem>>) attributes {dimension_semantics = [#tpu.dimension_semantics<core_parallel>, #tpu.dimension_semantics<subcore_parallel>], iteration_bounds = array<i64: 2, 16>, scalar_prefetch = 0 : i64, scratch_operands = 12 : i64, tpu.core_type = #tpu.core_type<sc_vector_subcore>, window_params = [{transform_indices = #map}, {transform_indices = #map1}, {transform_indices = #map1}, {transform_indices = #map1}]} {
    %mul3A = arith.constant 2 : i32
    %mul3A_0 = arith.muli %arg1, %mul3A : i32
    %add3A = arith.addi %mul3A_0, %arg0 : i32
    %jit3A = arith.constant 2 : i32
    %div3A = arith.divsi %add3A, %jit3A : i32
    %sign3A = arith.constant 0 : i32
    %sign3A_1 = arith.cmpi sgt, %add3A, %sign3A : i32
    %sign3A_2 = arith.extui %sign3A_1 : i1 to i32
    %sign3A_3 = arith.constant 0 : i32
    %sign3A_4 = arith.cmpi slt, %add3A, %sign3A_3 : i32
    %sign3A_5 = arith.extui %sign3A_4 : i1 to i32
    %sign3A_6 = arith.subi %sign3A_2, %sign3A_5 : i32
    %sign3A_7 = arith.constant 0 : i32
    %sign3A_8 = arith.cmpi sgt, %jit3A, %sign3A_7 : i32
    %sign3A_9 = arith.extui %sign3A_8 : i1 to i32
    %sign3A_10 = arith.constant 0 : i32
    %sign3A_11 = arith.cmpi slt, %jit3A, %sign3A_10 : i32
    %sign3A_12 = arith.extui %sign3A_11 : i1 to i32
    %sign3A_13 = arith.subi %sign3A_9, %sign3A_12 : i32
    %ne3A = arith.cmpi ne, %sign3A_6, %sign3A_13 : i32
    %rem3A = arith.remsi %add3A, %jit3A : i32
    %ne3A_14 = arith.constant 0 : i32
    %ne3A_15 = arith.cmpi ne, %rem3A, %ne3A_14 : i32
    %and3A = arith.andi %ne3A, %ne3A_15 : i1
    %sub3A = arith.constant 1 : i32
    %sub3A_16 = arith.subi %div3A, %sub3A : i32
    %select_n3A = arith.select %and3A, %sub3A_16, %div3A : i32
    %jit3A_17 = arith.constant 2 : i32
    %eq3A = arith.constant 0 : i32
    %eq3A_18 = arith.cmpi eq, %jit3A_17, %eq3A : i32
    %jit3A_19 = arith.constant 1 : i32
    %select_n3A_20 = arith.select %eq3A_18, %jit3A_19, %jit3A_17 : i32
    %rem3A_21 = arith.remsi %add3A, %select_n3A_20 : i32
    %ne3A_22 = arith.constant 0 : i32
    %ne3A_23 = arith.cmpi ne, %rem3A_21, %ne3A_22 : i32
    %lt3A = arith.constant 0 : i32
    %lt3A_24 = arith.cmpi slt, %rem3A_21, %lt3A : i32
    %lt3A_25 = arith.constant 0 : i32
    %lt3A_26 = arith.cmpi slt, %select_n3A_20, %lt3A_25 : i32
    %ne3A_27 = arith.xori %lt3A_24, %lt3A_26 : i1
    %and3A_28 = arith.andi %ne3A_27, %ne3A_23 : i1
    %add3A_29 = arith.addi %rem3A_21, %select_n3A_20 : i32
    %select_n3A_30 = arith.select %and3A_28, %add3A_29, %rem3A_21 : i32
    %mul3A_31 = arith.constant 32000 : i32
    %mul3A_32 = arith.muli %select_n3A_30, %mul3A_31 : i32
    %mul3A_33 = arith.constant 64000 : i32
    %mul3A_34 = arith.muli %select_n3A, %mul3A_33 : i32
    %add3A_35 = arith.addi %mul3A_34, %mul3A_32 : i32
    tpu.enqueue_dma source(%arg4 : memref<8192xi32, #tpu.memory_space<hbm>>) target(%arg6 : memref<8192xi32, #tpu.memory_space<vmem>>) target_semaphore(%arg13 : memref<!tpu.dma_semaphore, #tpu.memory_space<semaphore_mem>>)
    %add3A_36 = arith.constant 0 : i32
    %add3A_37 = arith.addi %add3A_35, %add3A_36 : i32
    %add3A_38 = arith.constant 0 : i32
    %add3A_39 = arith.addi %mul3A_32, %add3A_38 : i32
    %dma_start3A = tpu.memref_slice %arg2[%select_n3A, %add3A_39] : memref<16x64000xf32, #tpu.memory_space<hbm>> -> memref<1x16000xf32, #tpu.memory_space<hbm>>
    %dma_start3A_40 = tpu.memref_squeeze %dma_start3A : memref<1x16000xf32, #tpu.memory_space<hbm>> -> memref<16000xf32, #tpu.memory_space<hbm>>
    %dma_start3A_41 = tpu.memref_slice %arg2[%select_n3A, %add3A_39] : memref<16x64000xf32, #tpu.memory_space<hbm>> -> memref<1x16000xf32, #tpu.memory_space<hbm>>
    %dma_start3A_42 = tpu.memref_squeeze %dma_start3A_41 : memref<1x16000xf32, #tpu.memory_space<hbm>> -> memref<16000xf32, #tpu.memory_space<hbm>>
    tpu.enqueue_dma source(%dma_start3A_42 : memref<16000xf32, #tpu.memory_space<hbm>>) target(%arg7 : memref<16000xf32, #tpu.memory_space<vmem>>) target_semaphore(%arg14 : memref<!tpu.dma_semaphore, #tpu.memory_space<semaphore_mem>>)
    %dma_start3A_43 = tpu.memref_slice %arg3[%add3A_37] : memref<1024000xf32, #tpu.memory_space<hbm>> -> memref<16000xf32, #tpu.memory_space<hbm>>
    %dma_start3A_44 = tpu.memref_slice %arg3[%add3A_37] : memref<1024000xf32, #tpu.memory_space<hbm>> -> memref<16000xf32, #tpu.memory_space<hbm>>
    tpu.enqueue_dma source(%dma_start3A_44 : memref<16000xf32, #tpu.memory_space<hbm>>) target(%arg9 : memref<16000xf32, #tpu.memory_space<vmem>>) target_semaphore(%arg14 : memref<!tpu.dma_semaphore, #tpu.memory_space<semaphore_mem>>)
    tpu.wait_dma2 semaphore(%arg13 : memref<!tpu.dma_semaphore, #tpu.memory_space<semaphore_mem>>) src(%arg4 : memref<8192xi32, #tpu.memory_space<hbm>>) dst(%arg6 : memref<8192xi32, #tpu.memory_space<vmem>>)
    %add3A_45 = arith.constant 16000 : i32
    %add3A_46 = arith.addi %add3A_35, %add3A_45 : i32
    %add3A_47 = arith.constant 16000 : i32
    %add3A_48 = arith.addi %mul3A_32, %add3A_47 : i32
    %dma_start3A_49 = tpu.memref_slice %arg2[%select_n3A, %add3A_48] : memref<16x64000xf32, #tpu.memory_space<hbm>> -> memref<1x16000xf32, #tpu.memory_space<hbm>>
    %dma_start3A_50 = tpu.memref_squeeze %dma_start3A_49 : memref<1x16000xf32, #tpu.memory_space<hbm>> -> memref<16000xf32, #tpu.memory_space<hbm>>
    %dma_start3A_51 = tpu.memref_slice %arg2[%select_n3A, %add3A_48] : memref<16x64000xf32, #tpu.memory_space<hbm>> -> memref<1x16000xf32, #tpu.memory_space<hbm>>
    %dma_start3A_52 = tpu.memref_squeeze %dma_start3A_51 : memref<1x16000xf32, #tpu.memory_space<hbm>> -> memref<16000xf32, #tpu.memory_space<hbm>>
    tpu.enqueue_dma source(%dma_start3A_52 : memref<16000xf32, #tpu.memory_space<hbm>>) target(%arg8 : memref<16000xf32, #tpu.memory_space<vmem>>) target_semaphore(%arg15 : memref<!tpu.dma_semaphore, #tpu.memory_space<semaphore_mem>>)
    %dma_start3A_53 = tpu.memref_slice %arg3[%add3A_46] : memref<1024000xf32, #tpu.memory_space<hbm>> -> memref<16000xf32, #tpu.memory_space<hbm>>
    %dma_start3A_54 = tpu.memref_slice %arg3[%add3A_46] : memref<1024000xf32, #tpu.memory_space<hbm>> -> memref<16000xf32, #tpu.memory_space<hbm>>
    tpu.enqueue_dma source(%dma_start3A_54 : memref<16000xf32, #tpu.memory_space<hbm>>) target(%arg10 : memref<16000xf32, #tpu.memory_space<vmem>>) target_semaphore(%arg15 : memref<!tpu.dma_semaphore, #tpu.memory_space<semaphore_mem>>)
    %dma_wait3A = tpu.memref_slice %arg2[%select_n3A, %add3A_39] : memref<16x64000xf32, #tpu.memory_space<hbm>> -> memref<1x16000xf32, #tpu.memory_space<hbm>>
    %dma_wait3A_55 = tpu.memref_squeeze %dma_wait3A : memref<1x16000xf32, #tpu.memory_space<hbm>> -> memref<16000xf32, #tpu.memory_space<hbm>>
    %dma_wait3A_56 = tpu.memref_slice %arg2[%select_n3A, %add3A_39] : memref<16x64000xf32, #tpu.memory_space<hbm>> -> memref<1x16000xf32, #tpu.memory_space<hbm>>
    %dma_wait3A_57 = tpu.memref_squeeze %dma_wait3A_56 : memref<1x16000xf32, #tpu.memory_space<hbm>> -> memref<16000xf32, #tpu.memory_space<hbm>>
    tpu.wait_dma2 semaphore(%arg14 : memref<!tpu.dma_semaphore, #tpu.memory_space<semaphore_mem>>) src(%dma_wait3A_57 : memref<16000xf32, #tpu.memory_space<hbm>>) dst(%arg7 : memref<16000xf32, #tpu.memory_space<vmem>>)
    %dma_wait3A_58 = tpu.memref_slice %arg3[%add3A_37] : memref<1024000xf32, #tpu.memory_space<hbm>> -> memref<16000xf32, #tpu.memory_space<hbm>>
    %dma_wait3A_59 = tpu.memref_slice %arg3[%add3A_37] : memref<1024000xf32, #tpu.memory_space<hbm>> -> memref<16000xf32, #tpu.memory_space<hbm>>
    tpu.wait_dma2 semaphore(%arg14 : memref<!tpu.dma_semaphore, #tpu.memory_space<semaphore_mem>>) src(%dma_wait3A_59 : memref<16000xf32, #tpu.memory_space<hbm>>) dst(%arg9 : memref<16000xf32, #tpu.memory_space<vmem>>)
    %parallel_loop3A = arith.constant 0 : i32
    %parallel_loop3A_60 = arith.constant 16000 : i32
    %parallel_loop3A_61 = arith.constant 16 : i32
    scf.for %parallel_loop3A_83 = %parallel_loop3A to %parallel_loop3A_60 step %parallel_loop3A_61  : i32 {
      %parallel_loop3A_84 = arith.index_cast %parallel_loop3A_83 : i32 to index
      %parallel_loop3A_85 = tpu.vector_load %arg7[%parallel_loop3A_84] {strides = array<i32>} : memref<16000xf32, #tpu.memory_space<vmem>>, vector<16xf32>,
      %parallel_loop3A_86 = arith.fptosi %parallel_loop3A_85 : vector<16xf32> to vector<16xi32>
      %parallel_loop3A_87 = arith.sitofp %parallel_loop3A_86 : vector<16xi32> to vector<16xf32>
      %parallel_loop3A_88 = arith.subf %parallel_loop3A_85, %parallel_loop3A_87 : vector<16xf32>
      %parallel_loop3A_89 = tpu.vector_load_idx %arg6[%parallel_loop3A_86] : memref<8192xi32, #tpu.memory_space<vmem>>[vector<16xi32>], vector<16xi32>,
      %parallel_loop3A_90 = arith.constant 16 : i32
      %parallel_loop3A_91 = vector.broadcast %parallel_loop3A_90 : i32 to vector<16xi32>
      %parallel_loop3A_92 = arith.shli %parallel_loop3A_89, %parallel_loop3A_91 : vector<16xi32>
      %parallel_loop3A_93 = vector.bitcast %parallel_loop3A_92 : vector<16xi32> to vector<16xf32>
      %parallel_loop3A_94 = arith.constant -65536 : i32
      %parallel_loop3A_95 = vector.broadcast %parallel_loop3A_94 : i32 to vector<16xi32>
      %parallel_loop3A_96 = arith.andi %parallel_loop3A_89, %parallel_loop3A_95 : vector<16xi32>
      %parallel_loop3A_97 = vector.bitcast %parallel_loop3A_96 : vector<16xi32> to vector<16xf32>
      %parallel_loop3A_98 = arith.index_cast %parallel_loop3A_83 : i32 to index
      %parallel_loop3A_99 = tpu.vector_load %arg9[%parallel_loop3A_98] {strides = array<i32>} : memref<16000xf32, #tpu.memory_space<vmem>>, vector<16xf32>,
      %parallel_loop3A_100 = arith.mulf %parallel_loop3A_88, %parallel_loop3A_97 : vector<16xf32>
      %parallel_loop3A_101 = arith.addf %parallel_loop3A_93, %parallel_loop3A_100 : vector<16xf32>
      %parallel_loop3A_102 = arith.mulf %parallel_loop3A_99, %parallel_loop3A_101 : vector<16xf32>
      %parallel_loop3A_103 = arith.index_cast %parallel_loop3A_83 : i32 to index
      %parallel_loop3A_104 = tpu.vector_load %arg11[%parallel_loop3A_103] {strides = array<i32>} : memref<16000xf32, #tpu.memory_space<vmem>>, vector<16xf32>,
      tpu.vector_store %arg11[%parallel_loop3A_103], %parallel_loop3A_102 {strides = array<i32>} : memref<16000xf32, #tpu.memory_space<vmem>>, vector<16xf32>,
    } {sc.loop_unroll_factor = 8 : i64, sc.parallel_access}
    %add3A_62 = arith.constant 0 : i32
    %add3A_63 = arith.addi %add3A_35, %add3A_62 : i32
    %dma_start3A_64 = tpu.memref_slice %arg5[%add3A_63] : memref<1024000xf32, #tpu.memory_space<hbm>> -> memref<16000xf32, #tpu.memory_space<hbm>>
    %dma_start3A_65 = tpu.memref_slice %arg5[%add3A_63] : memref<1024000xf32, #tpu.memory_space<hbm>> -> memref<16000xf32, #tpu.memory_space<hbm>>
    tpu.enqueue_dma source(%arg11 : memref<16000xf32, #tpu.memory_space<vmem>>) target(%dma_start3A_65 : memref<16000xf32, #tpu.memory_space<hbm>>) target_semaphore(%arg16 : memref<!tpu.dma_semaphore, #tpu.memory_space<semaphore_mem>>)
    %dma_wait3A_66 = tpu.memref_slice %arg2[%select_n3A, %add3A_48] : memref<16x64000xf32, #tpu.memory_space<hbm>> -> memref<1x16000xf32, #tpu.memory_space<hbm>>
    %dma_wait3A_67 = tpu.memref_squeeze %dma_wait3A_66 : memref<1x16000xf32, #tpu.memory_space<hbm>> -> memref<16000xf32, #tpu.memory_space<hbm>>
    %dma_wait3A_68 = tpu.memref_slice %arg2[%select_n3A, %add3A_48] : memref<16x64000xf32, #tpu.memory_space<hbm>> -> memref<1x16000xf32, #tpu.memory_space<hbm>>
    %dma_wait3A_69 = tpu.memref_squeeze %dma_wait3A_68 : memref<1x16000xf32, #tpu.memory_space<hbm>> -> memref<16000xf32, #tpu.memory_space<hbm>>
    tpu.wait_dma2 semaphore(%arg15 : memref<!tpu.dma_semaphore, #tpu.memory_space<semaphore_mem>>) src(%dma_wait3A_69 : memref<16000xf32, #tpu.memory_space<hbm>>) dst(%arg8 : memref<16000xf32, #tpu.memory_space<vmem>>)
    %dma_wait3A_70 = tpu.memref_slice %arg3[%add3A_46] : memref<1024000xf32, #tpu.memory_space<hbm>> -> memref<16000xf32, #tpu.memory_space<hbm>>
    %dma_wait3A_71 = tpu.memref_slice %arg3[%add3A_46] : memref<1024000xf32, #tpu.memory_space<hbm>> -> memref<16000xf32, #tpu.memory_space<hbm>>
    tpu.wait_dma2 semaphore(%arg15 : memref<!tpu.dma_semaphore, #tpu.memory_space<semaphore_mem>>) src(%dma_wait3A_71 : memref<16000xf32, #tpu.memory_space<hbm>>) dst(%arg10 : memref<16000xf32, #tpu.memory_space<vmem>>)
    %parallel_loop3A_72 = arith.constant 0 : i32
    %parallel_loop3A_73 = arith.constant 16000 : i32
    %parallel_loop3A_74 = arith.constant 16 : i32
    scf.for %parallel_loop3A_83 = %parallel_loop3A_72 to %parallel_loop3A_73 step %parallel_loop3A_74  : i32 {
      %parallel_loop3A_84 = arith.index_cast %parallel_loop3A_83 : i32 to index
      %parallel_loop3A_85 = tpu.vector_load %arg8[%parallel_loop3A_84] {strides = array<i32>} : memref<16000xf32, #tpu.memory_space<vmem>>, vector<16xf32>,
      %parallel_loop3A_86 = arith.fptosi %parallel_loop3A_85 : vector<16xf32> to vector<16xi32>
      %parallel_loop3A_87 = arith.sitofp %parallel_loop3A_86 : vector<16xi32> to vector<16xf32>
      %parallel_loop3A_88 = arith.subf %parallel_loop3A_85, %parallel_loop3A_87 : vector<16xf32>
      %parallel_loop3A_89 = tpu.vector_load_idx %arg6[%parallel_loop3A_86] : memref<8192xi32, #tpu.memory_space<vmem>>[vector<16xi32>], vector<16xi32>,
      %parallel_loop3A_90 = arith.constant 16 : i32
      %parallel_loop3A_91 = vector.broadcast %parallel_loop3A_90 : i32 to vector<16xi32>
      %parallel_loop3A_92 = arith.shli %parallel_loop3A_89, %parallel_loop3A_91 : vector<16xi32>
      %parallel_loop3A_93 = vector.bitcast %parallel_loop3A_92 : vector<16xi32> to vector<16xf32>
      %parallel_loop3A_94 = arith.constant -65536 : i32
      %parallel_loop3A_95 = vector.broadcast %parallel_loop3A_94 : i32 to vector<16xi32>
      %parallel_loop3A_96 = arith.andi %parallel_loop3A_89, %parallel_loop3A_95 : vector<16xi32>
      %parallel_loop3A_97 = vector.bitcast %parallel_loop3A_96 : vector<16xi32> to vector<16xf32>
      %parallel_loop3A_98 = arith.index_cast %parallel_loop3A_83 : i32 to index
      %parallel_loop3A_99 = tpu.vector_load %arg10[%parallel_loop3A_98] {strides = array<i32>} : memref<16000xf32, #tpu.memory_space<vmem>>, vector<16xf32>,
      %parallel_loop3A_100 = arith.mulf %parallel_loop3A_88, %parallel_loop3A_97 : vector<16xf32>
      %parallel_loop3A_101 = arith.addf %parallel_loop3A_93, %parallel_loop3A_100 : vector<16xf32>
      %parallel_loop3A_102 = arith.mulf %parallel_loop3A_99, %parallel_loop3A_101 : vector<16xf32>
      %parallel_loop3A_103 = arith.index_cast %parallel_loop3A_83 : i32 to index
      %parallel_loop3A_104 = tpu.vector_load %arg12[%parallel_loop3A_103] {strides = array<i32>} : memref<16000xf32, #tpu.memory_space<vmem>>, vector<16xf32>,
      tpu.vector_store %arg12[%parallel_loop3A_103], %parallel_loop3A_102 {strides = array<i32>} : memref<16000xf32, #tpu.memory_space<vmem>>, vector<16xf32>,
    } {sc.loop_unroll_factor = 8 : i64, sc.parallel_access}
    %add3A_75 = arith.constant 16000 : i32
    %add3A_76 = arith.addi %add3A_35, %add3A_75 : i32
    %dma_start3A_77 = tpu.memref_slice %arg5[%add3A_76] : memref<1024000xf32, #tpu.memory_space<hbm>> -> memref<16000xf32, #tpu.memory_space<hbm>>
    %dma_start3A_78 = tpu.memref_slice %arg5[%add3A_76] : memref<1024000xf32, #tpu.memory_space<hbm>> -> memref<16000xf32, #tpu.memory_space<hbm>>
    tpu.enqueue_dma source(%arg12 : memref<16000xf32, #tpu.memory_space<vmem>>) target(%dma_start3A_78 : memref<16000xf32, #tpu.memory_space<hbm>>) target_semaphore(%arg17 : memref<!tpu.dma_semaphore, #tpu.memory_space<semaphore_mem>>)
    %dma_wait3A_79 = tpu.memref_slice %arg5[%add3A_63] : memref<1024000xf32, #tpu.memory_space<hbm>> -> memref<16000xf32, #tpu.memory_space<hbm>>
    %dma_wait3A_80 = tpu.memref_slice %arg5[%add3A_63] : memref<1024000xf32, #tpu.memory_space<hbm>> -> memref<16000xf32, #tpu.memory_space<hbm>>
    tpu.wait_dma2 semaphore(%arg16 : memref<!tpu.dma_semaphore, #tpu.memory_space<semaphore_mem>>) src(%arg11 : memref<16000xf32, #tpu.memory_space<vmem>>) dst(%dma_wait3A_80 : memref<16000xf32, #tpu.memory_space<hbm>>)
    %dma_wait3A_81 = tpu.memref_slice %arg5[%add3A_76] : memref<1024000xf32, #tpu.memory_space<hbm>> -> memref<16000xf32, #tpu.memory_space<hbm>>
    %dma_wait3A_82 = tpu.memref_slice %arg5[%add3A_76] : memref<1024000xf32, #tpu.memory_space<hbm>> -> memref<16000xf32, #tpu.memory_space<hbm>>
    tpu.wait_dma2 semaphore(%arg17 : memref<!tpu.dma_semaphore, #tpu.memory_space<semaphore_mem>>) src(%arg12 : memref<16000xf32, #tpu.memory_space<vmem>>) dst(%dma_wait3A_82 : memref<16000xf32, #tpu.memory_space<hbm>>)
    return
  }
}

module attributes {stable_mosaic.version = 14 : i64} {
  func.func @_tc_prep_body(%arg0: i32, %arg1: memref<16x16000xf32, #tpu.memory_space<vmem>>, %arg2: memref<16x10x512xf32, #tpu.memory_space<vmem>>, %arg3: memref<16x10xf32, #tpu.memory_space<vmem>>, %arg4: memref<16x16000xf32, #tpu.memory_space<vmem>>, %arg5: memref<16x512xi32, #tpu.memory_space<vmem>>, %arg6: memref<16x1xf32, #tpu.memory_space<vmem>>) attributes {dimension_semantics = [#tpu.dimension_semantics<arbitrary>], iteration_bounds = array<i64: 4>, scalar_prefetch = 0 : i64, scratch_operands = 1 : i64, tpu.core_type = #tpu.core_type<tc>, window_params = [{transform_indices = @transform_0, window_bounds = array<i64: 16, 16000>}, {pipeline_mode = #tpu.pipeline_mode<synchronous>, transform_indices = @transform_1, window_bounds = array<i64: 16, 10, 512>}, {pipeline_mode = #tpu.pipeline_mode<synchronous>, transform_indices = @transform_2, window_bounds = array<i64: 16, 10>}, {transform_indices = @transform_3, window_bounds = array<i64: 16, 16000>}, {pipeline_mode = #tpu.pipeline_mode<synchronous>, transform_indices = @transform_4, window_bounds = array<i64: 16, 512>}]} {
    %eq3A = arith.constant 0 : i32
    %eq3A_0 = arith.cmpi eq, %arg0, %eq3A : i32
    %convert_element_type3A = arith.extui %eq3A_0 : i1 to i32
    %cond3A = arith.constant 0 : i32
    %cond3A_1 = arith.cmpi ne, %convert_element_type3A, %cond3A : i32
    scf.if %cond3A_1 {
      %broadcast_in_dim3A_102 = arith.constant 0.000000e+00 : f32
      %broadcast_in_dim3A_103 = vector.broadcast %broadcast_in_dim3A_102 : f32 to vector<16x1xf32>
      %swap3A_104 = arith.constant 0 : index
      %swap3A_105 = arith.constant 0 : index
      %swap3A_106 = vector.load %arg6[%swap3A_104, %swap3A_105] : memref<16x1xf32, #tpu.memory_space<vmem>>, vector<16x1xf32>
      tpu.vector_store %arg6[%swap3A_104, %swap3A_105], %broadcast_in_dim3A_103 {strides = array<i32>} : memref<16x1xf32, #tpu.memory_space<vmem>>, vector<16x1xf32>,
      %get3A_107 = arith.constant 0 : index
      %get3A_108 = arith.constant 0 : index
      %get3A_109 = arith.constant 0 : index
      %get3A_110 = vector.load %arg2[%get3A_107, %get3A_108, %get3A_109] : memref<16x10x512xf32, #tpu.memory_space<vmem>>, vector<16x1x512xf32>
      %get3A_111 = vector.shape_cast %get3A_110 : vector<16x1x512xf32> to vector<16x512xf32>
      %get3A_112 = arith.constant 0 : index
      %get3A_113 = arith.constant 0 : index
      %get3A_114 = vector.load %arg3[%get3A_112, %get3A_113] : memref<16x10xf32, #tpu.memory_space<vmem>>, vector<16x1xf32>
      %mul3A_115 = vector.broadcast %get3A_114 : vector<16x1xf32> to vector<16x512xf32>
      %mul3A_116 = arith.mulf %get3A_111, %mul3A_115 : vector<16x512xf32>
      %get3A_117 = arith.constant 0 : index
      %get3A_118 = arith.constant 1 : index
      %get3A_119 = arith.constant 0 : index
      %get3A_120 = vector.load %arg2[%get3A_117, %get3A_118, %get3A_119] : memref<16x10x512xf32, #tpu.memory_space<vmem>>, vector<16x1x512xf32>
      %get3A_121 = vector.shape_cast %get3A_120 : vector<16x1x512xf32> to vector<16x512xf32>
      %get3A_122 = arith.constant 0 : index
      %get3A_123 = arith.constant 1 : index
      %get3A_124 = vector.load %arg3[%get3A_122, %get3A_123] : memref<16x10xf32, #tpu.memory_space<vmem>>, vector<16x1xf32>
      %mul3A_125 = vector.broadcast %get3A_124 : vector<16x1xf32> to vector<16x512xf32>
      %mul3A_126 = arith.mulf %get3A_121, %mul3A_125 : vector<16x512xf32>
      %add3A_127 = arith.addf %mul3A_116, %mul3A_126 : vector<16x512xf32>
      %get3A_128 = arith.constant 0 : index
      %get3A_129 = arith.constant 2 : index
      %get3A_130 = arith.constant 0 : index
      %get3A_131 = vector.load %arg2[%get3A_128, %get3A_129, %get3A_130] : memref<16x10x512xf32, #tpu.memory_space<vmem>>, vector<16x1x512xf32>
      %get3A_132 = vector.shape_cast %get3A_131 : vector<16x1x512xf32> to vector<16x512xf32>
      %get3A_133 = arith.constant 0 : index
      %get3A_134 = arith.constant 2 : index
      %get3A_135 = vector.load %arg3[%get3A_133, %get3A_134] : memref<16x10xf32, #tpu.memory_space<vmem>>, vector<16x1xf32>
      %mul3A_136 = vector.broadcast %get3A_135 : vector<16x1xf32> to vector<16x512xf32>
      %mul3A_137 = arith.mulf %get3A_132, %mul3A_136 : vector<16x512xf32>
      %add3A_138 = arith.addf %add3A_127, %mul3A_137 : vector<16x512xf32>
      %get3A_139 = arith.constant 0 : index
      %get3A_140 = arith.constant 3 : index
      %get3A_141 = arith.constant 0 : index
      %get3A_142 = vector.load %arg2[%get3A_139, %get3A_140, %get3A_141] : memref<16x10x512xf32, #tpu.memory_space<vmem>>, vector<16x1x512xf32>
      %get3A_143 = vector.shape_cast %get3A_142 : vector<16x1x512xf32> to vector<16x512xf32>
      %get3A_144 = arith.constant 0 : index
      %get3A_145 = arith.constant 3 : index
      %get3A_146 = vector.load %arg3[%get3A_144, %get3A_145] : memref<16x10xf32, #tpu.memory_space<vmem>>, vector<16x1xf32>
      %mul3A_147 = vector.broadcast %get3A_146 : vector<16x1xf32> to vector<16x512xf32>
      %mul3A_148 = arith.mulf %get3A_143, %mul3A_147 : vector<16x512xf32>
      %add3A_149 = arith.addf %add3A_138, %mul3A_148 : vector<16x512xf32>
      %get3A_150 = arith.constant 0 : index
      %get3A_151 = arith.constant 4 : index
      %get3A_152 = arith.constant 0 : index
      %get3A_153 = vector.load %arg2[%get3A_150, %get3A_151, %get3A_152] : memref<16x10x512xf32, #tpu.memory_space<vmem>>, vector<16x1x512xf32>
      %get3A_154 = vector.shape_cast %get3A_153 : vector<16x1x512xf32> to vector<16x512xf32>
      %get3A_155 = arith.constant 0 : index
      %get3A_156 = arith.constant 4 : index
      %get3A_157 = vector.load %arg3[%get3A_155, %get3A_156] : memref<16x10xf32, #tpu.memory_space<vmem>>, vector<16x1xf32>
      %mul3A_158 = vector.broadcast %get3A_157 : vector<16x1xf32> to vector<16x512xf32>
      %mul3A_159 = arith.mulf %get3A_154, %mul3A_158 : vector<16x512xf32>
      %add3A_160 = arith.addf %add3A_149, %mul3A_159 : vector<16x512xf32>
      %get3A_161 = arith.constant 0 : index
      %get3A_162 = arith.constant 5 : index
      %get3A_163 = arith.constant 0 : index
      %get3A_164 = vector.load %arg2[%get3A_161, %get3A_162, %get3A_163] : memref<16x10x512xf32, #tpu.memory_space<vmem>>, vector<16x1x512xf32>
      %get3A_165 = vector.shape_cast %get3A_164 : vector<16x1x512xf32> to vector<16x512xf32>
      %get3A_166 = arith.constant 0 : index
      %get3A_167 = arith.constant 5 : index
      %get3A_168 = vector.load %arg3[%get3A_166, %get3A_167] : memref<16x10xf32, #tpu.memory_space<vmem>>, vector<16x1xf32>
      %mul3A_169 = vector.broadcast %get3A_168 : vector<16x1xf32> to vector<16x512xf32>
      %mul3A_170 = arith.mulf %get3A_165, %mul3A_169 : vector<16x512xf32>
      %add3A_171 = arith.addf %add3A_160, %mul3A_170 : vector<16x512xf32>
      %get3A_172 = arith.constant 0 : index
      %get3A_173 = arith.constant 6 : index
      %get3A_174 = arith.constant 0 : index
      %get3A_175 = vector.load %arg2[%get3A_172, %get3A_173, %get3A_174] : memref<16x10x512xf32, #tpu.memory_space<vmem>>, vector<16x1x512xf32>
      %get3A_176 = vector.shape_cast %get3A_175 : vector<16x1x512xf32> to vector<16x512xf32>
      %get3A_177 = arith.constant 0 : index
      %get3A_178 = arith.constant 6 : index
      %get3A_179 = vector.load %arg3[%get3A_177, %get3A_178] : memref<16x10xf32, #tpu.memory_space<vmem>>, vector<16x1xf32>
      %mul3A_180 = vector.broadcast %get3A_179 : vector<16x1xf32> to vector<16x512xf32>
      %mul3A_181 = arith.mulf %get3A_176, %mul3A_180 : vector<16x512xf32>
      %add3A_182 = arith.addf %add3A_171, %mul3A_181 : vector<16x512xf32>
      %get3A_183 = arith.constant 0 : index
      %get3A_184 = arith.constant 7 : index
      %get3A_185 = arith.constant 0 : index
      %get3A_186 = vector.load %arg2[%get3A_183, %get3A_184, %get3A_185] : memref<16x10x512xf32, #tpu.memory_space<vmem>>, vector<16x1x512xf32>
      %get3A_187 = vector.shape_cast %get3A_186 : vector<16x1x512xf32> to vector<16x512xf32>
      %get3A_188 = arith.constant 0 : index
      %get3A_189 = arith.constant 7 : index
      %get3A_190 = vector.load %arg3[%get3A_188, %get3A_189] : memref<16x10xf32, #tpu.memory_space<vmem>>, vector<16x1xf32>
      %mul3A_191 = vector.broadcast %get3A_190 : vector<16x1xf32> to vector<16x512xf32>
      %mul3A_192 = arith.mulf %get3A_187, %mul3A_191 : vector<16x512xf32>
      %add3A_193 = arith.addf %add3A_182, %mul3A_192 : vector<16x512xf32>
      %get3A_194 = arith.constant 0 : index
      %get3A_195 = arith.constant 8 : index
      %get3A_196 = arith.constant 0 : index
      %get3A_197 = vector.load %arg2[%get3A_194, %get3A_195, %get3A_196] : memref<16x10x512xf32, #tpu.memory_space<vmem>>, vector<16x1x512xf32>
      %get3A_198 = vector.shape_cast %get3A_197 : vector<16x1x512xf32> to vector<16x512xf32>
      %get3A_199 = arith.constant 0 : index
      %get3A_200 = arith.constant 8 : index
      %get3A_201 = vector.load %arg3[%get3A_199, %get3A_200] : memref<16x10xf32, #tpu.memory_space<vmem>>, vector<16x1xf32>
      %mul3A_202 = vector.broadcast %get3A_201 : vector<16x1xf32> to vector<16x512xf32>
      %mul3A_203 = arith.mulf %get3A_198, %mul3A_202 : vector<16x512xf32>
      %add3A_204 = arith.addf %add3A_193, %mul3A_203 : vector<16x512xf32>
      %get3A_205 = arith.constant 0 : index
      %get3A_206 = arith.constant 9 : index
      %get3A_207 = arith.constant 0 : index
      %get3A_208 = vector.load %arg2[%get3A_205, %get3A_206, %get3A_207] : memref<16x10x512xf32, #tpu.memory_space<vmem>>, vector<16x1x512xf32>
      %get3A_209 = vector.shape_cast %get3A_208 : vector<16x1x512xf32> to vector<16x512xf32>
      %get3A_210 = arith.constant 0 : index
      %get3A_211 = arith.constant 9 : index
      %get3A_212 = vector.load %arg3[%get3A_210, %get3A_211] : memref<16x10xf32, #tpu.memory_space<vmem>>, vector<16x1xf32>
      %mul3A_213 = vector.broadcast %get3A_212 : vector<16x1xf32> to vector<16x512xf32>
      %mul3A_214 = arith.mulf %get3A_209, %mul3A_213 : vector<16x512xf32>
      %add3A_215 = arith.addf %add3A_204, %mul3A_214 : vector<16x512xf32>
      %slice3A_216 = vector.extract_strided_slice %add3A_215 {offsets = [0, 1], sizes = [16, 511], strides = [1, 1]} : vector<16x512xf32> to vector<16x511xf32>
      %slice3A_217 = vector.extract_strided_slice %add3A_215 {offsets = [0, 0], sizes = [16, 1], strides = [1, 1]} : vector<16x512xf32> to vector<16x1xf32>
      %concatenate3A_218 = tpu.concatenate %slice3A_216, %slice3A_217 in 1 : vector<16x511xf32>, vector<16x1xf32> -> vector<16x512xf32>
      %sub3A_219 = arith.subf %concatenate3A_218, %add3A_215 : vector<16x512xf32>
      %convert_element_type3A_220 = arith.truncf %add3A_215 : vector<16x512xf32> to vector<16x512xbf16>
      %convert_element_type3A_221 = arith.extf %convert_element_type3A_220 : vector<16x512xbf16> to vector<16x512xf32>
      %bitcast_convert_type3A = tpu.bitcast %convert_element_type3A_221 : vector<16x512xf32> -> vector<16x512xi32>
      %convert_element_type3A_222 = arith.truncf %sub3A_219 : vector<16x512xf32> to vector<16x512xbf16>
      %convert_element_type3A_223 = arith.extf %convert_element_type3A_222 : vector<16x512xbf16> to vector<16x512xf32>
      %bitcast_convert_type3A_224 = tpu.bitcast %convert_element_type3A_223 : vector<16x512xf32> -> vector<16x512xi32>
      %shift_right_logical3A = arith.constant 16 : i32
      %shift_right_logical3A_225 = vector.broadcast %shift_right_logical3A : i32 to vector<16x512xi32>
      %shift_right_logical3A_226 = arith.shrui %bitcast_convert_type3A, %shift_right_logical3A_225 : vector<16x512xi32>
      %and3A = arith.constant -65536 : i32
      %and3A_227 = vector.broadcast %and3A : i32 to vector<16x512xi32>
      %and3A_228 = arith.andi %bitcast_convert_type3A_224, %and3A_227 : vector<16x512xi32>
      %or3A = arith.ori %shift_right_logical3A_226, %and3A_228 : vector<16x512xi32>
      %swap3A_229 = arith.constant 0 : index
      %swap3A_230 = arith.constant 0 : index
      %swap3A_231 = vector.load %arg5[%swap3A_229, %swap3A_230] : memref<16x512xi32, #tpu.memory_space<vmem>>, vector<16x512xi32>
      tpu.vector_store %arg5[%swap3A_229, %swap3A_230], %or3A {strides = array<i32>} : memref<16x512xi32, #tpu.memory_space<vmem>>, vector<16x512xi32>,
    } else {
    }
    %get3A = arith.constant 0 : index
    %get3A_2 = arith.constant 0 : index
    %get3A_3 = vector.load %arg1[%get3A, %get3A_2] : memref<16x16000xf32, #tpu.memory_space<vmem>>, vector<16x16000xf32>
    %mul3A = arith.constant 3.200000e-02 : f32
    %mul3A_4 = vector.broadcast %mul3A : f32 to vector<16x16000xf32>
    %mul3A_5 = arith.mulf %get3A_3, %mul3A_4 : vector<16x16000xf32>
    %broadcast_in_dim3A = arith.constant 0.000000e+00 : f32
    %broadcast_in_dim3A_6 = vector.broadcast %broadcast_in_dim3A : f32 to vector<16x1xf32>
    %slice3A = vector.extract_strided_slice %mul3A_5 {offsets = [0, 0], sizes = [16, 15999], strides = [1, 1]} : vector<16x16000xf32> to vector<16x15999xf32>
    %concatenate3A = tpu.concatenate %broadcast_in_dim3A_6, %slice3A in 1 : vector<16x1xf32>, vector<16x15999xf32> -> vector<16x16000xf32>
    %add3A = arith.addf %mul3A_5, %concatenate3A : vector<16x16000xf32>
    %broadcast_in_dim3A_7 = arith.constant 0.000000e+00 : f32
    %broadcast_in_dim3A_8 = vector.broadcast %broadcast_in_dim3A_7 : f32 to vector<16x2xf32>
    %slice3A_9 = vector.extract_strided_slice %add3A {offsets = [0, 0], sizes = [16, 15998], strides = [1, 1]} : vector<16x16000xf32> to vector<16x15998xf32>
    %concatenate3A_10 = tpu.concatenate %broadcast_in_dim3A_8, %slice3A_9 in 1 : vector<16x2xf32>, vector<16x15998xf32> -> vector<16x16000xf32>
    %add3A_11 = arith.addf %add3A, %concatenate3A_10 : vector<16x16000xf32>
    %broadcast_in_dim3A_12 = arith.constant 0.000000e+00 : f32
    %broadcast_in_dim3A_13 = vector.broadcast %broadcast_in_dim3A_12 : f32 to vector<16x4xf32>
    %slice3A_14 = vector.extract_strided_slice %add3A_11 {offsets = [0, 0], sizes = [16, 15996], strides = [1, 1]} : vector<16x16000xf32> to vector<16x15996xf32>
    %concatenate3A_15 = tpu.concatenate %broadcast_in_dim3A_13, %slice3A_14 in 1 : vector<16x4xf32>, vector<16x15996xf32> -> vector<16x16000xf32>
    %add3A_16 = arith.addf %add3A_11, %concatenate3A_15 : vector<16x16000xf32>
    %broadcast_in_dim3A_17 = arith.constant 0.000000e+00 : f32
    %broadcast_in_dim3A_18 = vector.broadcast %broadcast_in_dim3A_17 : f32 to vector<16x8xf32>
    %slice3A_19 = vector.extract_strided_slice %add3A_16 {offsets = [0, 0], sizes = [16, 15992], strides = [1, 1]} : vector<16x16000xf32> to vector<16x15992xf32>
    %concatenate3A_20 = tpu.concatenate %broadcast_in_dim3A_18, %slice3A_19 in 1 : vector<16x8xf32>, vector<16x15992xf32> -> vector<16x16000xf32>
    %add3A_21 = arith.addf %add3A_16, %concatenate3A_20 : vector<16x16000xf32>
    %broadcast_in_dim3A_22 = arith.constant 0.000000e+00 : f32
    %broadcast_in_dim3A_23 = vector.broadcast %broadcast_in_dim3A_22 : f32 to vector<16x16xf32>
    %slice3A_24 = vector.extract_strided_slice %add3A_21 {offsets = [0, 0], sizes = [16, 15984], strides = [1, 1]} : vector<16x16000xf32> to vector<16x15984xf32>
    %concatenate3A_25 = tpu.concatenate %broadcast_in_dim3A_23, %slice3A_24 in 1 : vector<16x16xf32>, vector<16x15984xf32> -> vector<16x16000xf32>
    %add3A_26 = arith.addf %add3A_21, %concatenate3A_25 : vector<16x16000xf32>
    %broadcast_in_dim3A_27 = arith.constant 0.000000e+00 : f32
    %broadcast_in_dim3A_28 = vector.broadcast %broadcast_in_dim3A_27 : f32 to vector<16x32xf32>
    %slice3A_29 = vector.extract_strided_slice %add3A_26 {offsets = [0, 0], sizes = [16, 15968], strides = [1, 1]} : vector<16x16000xf32> to vector<16x15968xf32>
    %concatenate3A_30 = tpu.concatenate %broadcast_in_dim3A_28, %slice3A_29 in 1 : vector<16x32xf32>, vector<16x15968xf32> -> vector<16x16000xf32>
    %add3A_31 = arith.addf %add3A_26, %concatenate3A_30 : vector<16x16000xf32>
    %broadcast_in_dim3A_32 = arith.constant 0.000000e+00 : f32
    %broadcast_in_dim3A_33 = vector.broadcast %broadcast_in_dim3A_32 : f32 to vector<16x64xf32>
    %slice3A_34 = vector.extract_strided_slice %add3A_31 {offsets = [0, 0], sizes = [16, 15936], strides = [1, 1]} : vector<16x16000xf32> to vector<16x15936xf32>
    %concatenate3A_35 = tpu.concatenate %broadcast_in_dim3A_33, %slice3A_34 in 1 : vector<16x64xf32>, vector<16x15936xf32> -> vector<16x16000xf32>
    %add3A_36 = arith.addf %add3A_31, %concatenate3A_35 : vector<16x16000xf32>
    %broadcast_in_dim3A_37 = arith.constant 0.000000e+00 : f32
    %broadcast_in_dim3A_38 = vector.broadcast %broadcast_in_dim3A_37 : f32 to vector<16x128xf32>
    %slice3A_39 = vector.extract_strided_slice %add3A_36 {offsets = [0, 0], sizes = [16, 15872], strides = [1, 1]} : vector<16x16000xf32> to vector<16x15872xf32>
    %concatenate3A_40 = tpu.concatenate %broadcast_in_dim3A_38, %slice3A_39 in 1 : vector<16x128xf32>, vector<16x15872xf32> -> vector<16x16000xf32>
    %add3A_41 = arith.addf %add3A_36, %concatenate3A_40 : vector<16x16000xf32>
    %broadcast_in_dim3A_42 = arith.constant 0.000000e+00 : f32
    %broadcast_in_dim3A_43 = vector.broadcast %broadcast_in_dim3A_42 : f32 to vector<16x256xf32>
    %slice3A_44 = vector.extract_strided_slice %add3A_41 {offsets = [0, 0], sizes = [16, 15744], strides = [1, 1]} : vector<16x16000xf32> to vector<16x15744xf32>
    %concatenate3A_45 = tpu.concatenate %broadcast_in_dim3A_43, %slice3A_44 in 1 : vector<16x256xf32>, vector<16x15744xf32> -> vector<16x16000xf32>
    %add3A_46 = arith.addf %add3A_41, %concatenate3A_45 : vector<16x16000xf32>
    %broadcast_in_dim3A_47 = arith.constant 0.000000e+00 : f32
    %broadcast_in_dim3A_48 = vector.broadcast %broadcast_in_dim3A_47 : f32 to vector<16x512xf32>
    %slice3A_49 = vector.extract_strided_slice %add3A_46 {offsets = [0, 0], sizes = [16, 15488], strides = [1, 1]} : vector<16x16000xf32> to vector<16x15488xf32>
    %concatenate3A_50 = tpu.concatenate %broadcast_in_dim3A_48, %slice3A_49 in 1 : vector<16x512xf32>, vector<16x15488xf32> -> vector<16x16000xf32>
    %add3A_51 = arith.addf %add3A_46, %concatenate3A_50 : vector<16x16000xf32>
    %broadcast_in_dim3A_52 = arith.constant 0.000000e+00 : f32
    %broadcast_in_dim3A_53 = vector.broadcast %broadcast_in_dim3A_52 : f32 to vector<16x1024xf32>
    %slice3A_54 = vector.extract_strided_slice %add3A_51 {offsets = [0, 0], sizes = [16, 14976], strides = [1, 1]} : vector<16x16000xf32> to vector<16x14976xf32>
    %concatenate3A_55 = tpu.concatenate %broadcast_in_dim3A_53, %slice3A_54 in 1 : vector<16x1024xf32>, vector<16x14976xf32> -> vector<16x16000xf32>
    %add3A_56 = arith.addf %add3A_51, %concatenate3A_55 : vector<16x16000xf32>
    %broadcast_in_dim3A_57 = arith.constant 0.000000e+00 : f32
    %broadcast_in_dim3A_58 = vector.broadcast %broadcast_in_dim3A_57 : f32 to vector<16x2048xf32>
    %slice3A_59 = vector.extract_strided_slice %add3A_56 {offsets = [0, 0], sizes = [16, 13952], strides = [1, 1]} : vector<16x16000xf32> to vector<16x13952xf32>
    %concatenate3A_60 = tpu.concatenate %broadcast_in_dim3A_58, %slice3A_59 in 1 : vector<16x2048xf32>, vector<16x13952xf32> -> vector<16x16000xf32>
    %add3A_61 = arith.addf %add3A_56, %concatenate3A_60 : vector<16x16000xf32>
    %broadcast_in_dim3A_62 = arith.constant 0.000000e+00 : f32
    %broadcast_in_dim3A_63 = vector.broadcast %broadcast_in_dim3A_62 : f32 to vector<16x4096xf32>
    %slice3A_64 = vector.extract_strided_slice %add3A_61 {offsets = [0, 0], sizes = [16, 11904], strides = [1, 1]} : vector<16x16000xf32> to vector<16x11904xf32>
    %concatenate3A_65 = tpu.concatenate %broadcast_in_dim3A_63, %slice3A_64 in 1 : vector<16x4096xf32>, vector<16x11904xf32> -> vector<16x16000xf32>
    %add3A_66 = arith.addf %add3A_61, %concatenate3A_65 : vector<16x16000xf32>
    %broadcast_in_dim3A_67 = arith.constant 0.000000e+00 : f32
    %broadcast_in_dim3A_68 = vector.broadcast %broadcast_in_dim3A_67 : f32 to vector<16x8192xf32>
    %slice3A_69 = vector.extract_strided_slice %add3A_66 {offsets = [0, 0], sizes = [16, 7808], strides = [1, 1]} : vector<16x16000xf32> to vector<16x7808xf32>
    %concatenate3A_70 = tpu.concatenate %broadcast_in_dim3A_68, %slice3A_69 in 1 : vector<16x8192xf32>, vector<16x7808xf32> -> vector<16x16000xf32>
    %add3A_71 = arith.addf %add3A_66, %concatenate3A_70 : vector<16x16000xf32>
    %get3A_72 = arith.constant 0 : index
    %get3A_73 = arith.constant 0 : index
    %get3A_74 = vector.load %arg6[%get3A_72, %get3A_73] : memref<16x1xf32, #tpu.memory_space<vmem>>, vector<16x1xf32>
    %add3A_75 = vector.broadcast %get3A_74 : vector<16x1xf32> to vector<16x16000xf32>
    %add3A_76 = arith.addf %add3A_71, %add3A_75 : vector<16x16000xf32>
    %slice3A_77 = vector.extract_strided_slice %add3A_76 {offsets = [0, 15999], sizes = [16, 1], strides = [1, 1]} : vector<16x16000xf32> to vector<16x1xf32>
    %swap3A = arith.constant 0 : index
    %swap3A_78 = arith.constant 0 : index
    %swap3A_79 = vector.load %arg6[%swap3A, %swap3A_78] : memref<16x1xf32, #tpu.memory_space<vmem>>, vector<16x1xf32>
    tpu.vector_store %arg6[%swap3A, %swap3A_78], %slice3A_77 {strides = array<i32>} : memref<16x1xf32, #tpu.memory_space<vmem>>, vector<16x1xf32>,
    %slice3A_80 = vector.extract_strided_slice %mul3A_5 {offsets = [1, 0], sizes = [1, 16000], strides = [1, 1]} : vector<16x16000xf32> to vector<1x16000xf32>
    %sub3A = vector.broadcast %slice3A_80 : vector<1x16000xf32> to vector<16x16000xf32>
    %sub3A_81 = arith.subf %add3A_76, %sub3A : vector<16x16000xf32>
    %mul3A_82 = arith.constant 0.001953125 : f32
    %mul3A_83 = vector.broadcast %mul3A_82 : f32 to vector<16x16000xf32>
    %mul3A_84 = arith.mulf %sub3A_81, %mul3A_83 : vector<16x16000xf32>
    %floor3A = math.floor %mul3A_84 : vector<16x16000xf32>
    %mul3A_85 = arith.constant 5.120000e+02 : f32
    %mul3A_86 = vector.broadcast %mul3A_85 : f32 to vector<16x16000xf32>
    %mul3A_87 = arith.mulf %mul3A_86, %floor3A : vector<16x16000xf32>
    %sub3A_88 = arith.subf %sub3A_81, %mul3A_87 : vector<16x16000xf32>
    %max3A = arith.constant 0.000000e+00 : f32
    %max3A_89 = vector.broadcast %max3A : f32 to vector<16x16000xf32>
    %max3A_90 = arith.maximumf %sub3A_88, %max3A_89 : vector<16x16000xf32>
    %iota3A = tpu.iota {dimensions = array<i32: 0>} : vector<16x16000xi32>
    %mul3A_91 = arith.constant 512 : i32
    %mul3A_92 = vector.broadcast %mul3A_91 : i32 to vector<16x16000xi32>
    %mul3A_93 = arith.muli %iota3A, %mul3A_92 : vector<16x16000xi32>
    %convert_element_type3A_94 = arith.sitofp %mul3A_93 : vector<16x16000xi32> to vector<16x16000xf32>
    %add3A_95 = arith.addf %convert_element_type3A_94, %max3A_90 : vector<16x16000xf32>
    %add3A_96 = arith.constant 511.999512 : f32
    %add3A_97 = vector.broadcast %add3A_96 : f32 to vector<16x16000xf32>
    %add3A_98 = arith.addf %convert_element_type3A_94, %add3A_97 : vector<16x16000xf32>
    %min3A = arith.minimumf %add3A_95, %add3A_98 : vector<16x16000xf32>
    %swap3A_99 = arith.constant 0 : index
    %swap3A_100 = arith.constant 0 : index
    %swap3A_101 = vector.load %arg4[%swap3A_99, %swap3A_100] : memref<16x16000xf32, #tpu.memory_space<vmem>>, vector<16x16000xf32>
    tpu.vector_store %arg4[%swap3A_99, %swap3A_100], %min3A {strides = array<i32>} : memref<16x16000xf32, #tpu.memory_space<vmem>>, vector<16x16000xf32>,
    return
  }
  func.func @transform_0(%arg0: i32) -> (i32, i32) {
    %c0_i32 = arith.constant 0 : i32
    %c0_i32_0 = arith.constant 0 : i32
    return %c0_i32, %arg0 : i32, i32
  }
  func.func @transform_1(%arg0: i32) -> (i32, i32, i32) {
    %c0_i32 = arith.constant 0 : i32
    %c0_i32_0 = arith.constant 0 : i32
    %c0_i32_1 = arith.constant 0 : i32
    %c0_i32_2 = arith.constant 0 : i32
    return %c0_i32, %c0_i32_0, %c0_i32_1 : i32, i32, i32
  }
  func.func @transform_2(%arg0: i32) -> (i32, i32) {
    %c0_i32 = arith.constant 0 : i32
    %c0_i32_0 = arith.constant 0 : i32
    %c0_i32_1 = arith.constant 0 : i32
    return %c0_i32, %c0_i32_0 : i32, i32
  }
  func.func @transform_3(%arg0: i32) -> (i32, i32) {
    %c0_i32 = arith.constant 0 : i32
    %c0_i32_0 = arith.constant 0 : i32
    return %c0_i32, %arg0 : i32, i32
  }
  func.func @transform_4(%arg0: i32) -> (i32, i32) {
    %c0_i32 = arith.constant 0 : i32
    %c0_i32_0 = arith.constant 0 : i32
    %c0_i32_1 = arith.constant 0 : i32
    return %c0_i32, %c0_i32_0 : i32, i32
  }
}

</mosaic_0001>

<sc_bundles>
// kernel: kernel.4.cloned.1.call-start
scs
__scs_entry_jumppad:
0x0: {  	(pc) =	sbr.rel $0x88, $3  }
0x1: {  	(tag) =	ssettag $0x0;
	lr =	simm.s32 $0x1  }
0x2: {  	[smem:$0x3F9D] =	sst lr;
	_ =	strace $0xD0000000  }
0x3: {  	_ = 	snop  }
0x4: {  	_ = 	snop  }
0x5: {  	_ = 	snop  }
0x6: {  	_ = 	snop  }
0x7: {  	_ = 	snop  }
__scs_overlays_trampoline_lowered:
0x8: {  	[smem:$0x3FAC] =	sst s0  }
0x9: {  	[smem:$0x3FAD] =	sst s1  }
0xa: {  	[smem:$0x3FAE] =	sst s2  }
0xb: {  	[smem:$0x3FAF] =	sst s3  }
0xc: {  	[smem:$0x3FB0] =	sst s4  }
0xd: {  	[smem:$0x3FB1] =	sst s5  }
0xe: {  	[smem:$0x3FB2] =	sst s6  }
0xf: {  	[smem:$0x3FB3] =	sst s7  }
0x10: {  	[smem:$0x3FB4] =	sst s8  }
0x11: {  	[smem:$0x3FB5] =	sst s9;
	s0 =	simm.s32 @!p0 $0x0  }
0x12: {  	s1 =	sld [smem:$0x3F9B];
	s0 =	simm.s32 @p0 $0x1  }
0x13: {  	[smem:$0x3FB6] =	sst s0;
	s0 =	simm.s32 @!p1 $0x0  }
0x14: {  	s2 =	sld [smem:$0x3F9A];
	s0 =	simm.s32 @p1 $0x1  }
0x15: {  	[smem:$0x3FB7] =	sst s0;
	s0 =	simm.s32 @!p2 $0x0  }
0x16: {  	s3 =	sld [smem:$0x3FDB];
	s0 =	simm.s32 @p2 $0x1  }
0x17: {  	s4 =	simm.s32 $0x1BF5;
	[smem:$0x3FB9] =	sst s0  }
0x18: {  	s0 =	sld [smem:$0x3F9C];
	_ =	swait.ge [sflag:s4], $0x0  }
0x19: {  	s7 =	sld [smem:$0x3F9D]  }
0x1a: {  	s8 =	sadd.s32 $0xFFFFE003, lr  }
0x1b: {  	s9 =	sadd.s32 $0xFFFFFEF7, lr;
	s5 =	simm.s32 $0xFFFFFFFF;
	p2 =	slt.u32 s8, $0xFFFFF086  }
0x1c: {  	p1 =	slt.u32 s9, $0xF7A;
	s5 =	simm.s32 @!p2 $0x0  }
0x1d: {  	s5 =	simm.s32 @p1 $0x1;
	p0 =	seq.s32 s7, s2  }
0x1e: {  	s7 =	smul.u32 @!p0 $0xF7A, s2;
	p2 =	seq.s32 @!p0 s5, $0x0  }
0x1f: {  	s9 =	smul.u32 $0xF7A, s1;
	s8 =	simm.s32 @!p0 $0x1BF5;
	p2 =	por !p2, p0  }
0x20: {  	[sflag:s8] =	ssyncset.s32 @!p0 $0xFFFFF086;
	s6 =	sadd.s32 @!p0 s3, s7;
	s7 =	simm.s32 @!p0 $0x108  }
0x21: {  	s3 =	sadd.s32 s3, s9;
	s6 =	sadd.s32 @!p0 $0x88, s6;
	s7 =	simm.s32 @p2 $0x1082  }
0x22: {  	[simem:s7], [sflag:s8] =	dma.local @!p0 [hbm:s6], $0xF7A  }
0x23: {  	s9 =	sor.u32 $0xD0000000, s2;
	s6 =	simm.s32 $0x108;
	_ =	swait.ge @!p0 [sflag:s8], $0x0  }
0x24: {  	s3 =	sadd.s32 $0x88, s3;
	s6 =	simm.s32 @!p1 $0x1082;
	[sflag:s4] =	ssyncset.s32 $0xFFFFF086  }
0x25: {  	[simem:s6], [sflag:s4] =	dma.local [hbm:s3], $0xF7A  }
0x26: {  	[smem:$0x3F9D] =	sst s1;
	(tag) =	ssettag s2;
	_ =	strace s9  }
0x27: {  	s1 =	sld [smem:$0x3FAD]  }
0x28: {  	s2 =	sld [smem:$0x3FAE]  }
0x29: {  	s4 =	sld [smem:$0x3FB0]  }
0x2a: {  	p0 =	seq.s32 s5, $0x0;
	s5 =	sld [smem:$0x3FB1]  }
0x2b: {  	s6 =	sld [smem:$0x3FB2]  }
0x2c: {  	s7 =	sld [smem:$0x3FB3]  }
0x2d: {  	s3 =	simm.s32 $0x108;
	s8 =	sld [smem:$0x3FB4]  }
0x2e: {  	s3 =	simm.s32 @!p0 $0x1082;
	s9 =	sld [smem:$0x3FB5]  }
0x2f: {  	lr =	sadd.s32 s0, s3;
	s0 =	sld [smem:$0x3FAC]  }
0x30: {  	s3 =	sld [smem:$0x3FAF]  }
0x31: {  	[smem:$0x3FB8] =	sst s10  }
0x32: {  	s10 =	sld [smem:$0x3FB6];
	_ =	sdelay $0x3  }
0x33: {  	p0 =	seq.s32 s10, $0x1;
	s10 =	sld [smem:$0x3FB8];
	_ =	sdelay $0x3  }
0x34: {  	[smem:$0x3FB8] =	sst s10  }
0x35: {  	s10 =	sld [smem:$0x3FB7];
	_ =	sdelay $0x3  }
0x36: {  	p1 =	seq.s32 s10, $0x1;
	s10 =	sld [smem:$0x3FB8];
	_ =	sdelay $0x3  }
0x37: {  	[smem:$0x3FB8] =	sst s10  }
0x38: {  	s10 =	sld [smem:$0x3FB9]  }
0x39: {  	_ = 	snop;
	(pc) =	sbr.ind lr, $3  }
0x3a: {  	_ = 	snop  }
0x3b: {  	_ = 	snop  }
0x3c: {  	p2 =	seq.s32 s10, $0x1;
	s10 =	sld [smem:$0x3FB8]  }
0x3d: {  	_ =	shalt  }
0x3e: {  	_ =	shalt  }
0x3f: {  	_ =	shalt  }
0x40: {  	_ =	shalt  }
0x41: {  	_ =	shalt  }
0x42: {  	_ =	shalt  }
0x43: {  	_ =	shalt  }
0x44: {  	_ =	shalt  }
0x45: {  	_ =	shalt  }
0x46: {  	_ =	shalt  }
0x47: {  	_ =	shalt  }
0x48: {  	_ =	shalt  }
0x49: {  	_ =	shalt  }
0x4a: {  	_ =	shalt  }
0x4b: {  	_ =	shalt  }
0x4c: {  	_ =	shalt  }
0x4d: {  	_ =	shalt  }
0x4e: {  	_ =	shalt  }
0x4f: {  	_ =	shalt  }
0x50: {  	_ =	shalt  }
0x51: {  	_ =	shalt  }
0x52: {  	_ =	shalt  }
0x53: {  	_ =	shalt  }
0x54: {  	_ =	shalt  }
0x55: {  	_ =	shalt  }
0x56: {  	_ =	shalt  }
0x57: {  	_ =	shalt  }
0x58: {  	_ =	shalt  }
0x59: {  	_ =	shalt  }
0x5a: {  	_ =	shalt  }
0x5b: {  	_ =	shalt  }
0x5c: {  	_ =	shalt  }
0x5d: {  	_ =	shalt  }
0x5e: {  	_ =	shalt  }
0x5f: {  	_ =	shalt  }
0x60: {  	_ =	shalt  }
0x61: {  	_ =	shalt  }
0x62: {  	_ =	shalt  }
0x63: {  	_ =	shalt  }
0x64: {  	_ =	shalt  }
0x65: {  	_ =	shalt  }
0x66: {  	_ =	shalt  }
0x67: {  	_ =	shalt  }
0x68: {  	_ =	shalt  }
0x69: {  	_ =	shalt  }
0x6a: {  	_ =	shalt  }
0x6b: {  	_ =	shalt  }
0x6c: {  	_ =	shalt  }
0x6d: {  	_ =	shalt  }
0x6e: {  	_ =	shalt  }
0x6f: {  	_ =	shalt  }
0x70: {  	_ =	shalt  }
0x71: {  	_ =	shalt  }
0x72: {  	_ =	shalt  }
0x73: {  	_ =	shalt  }
0x74: {  	_ =	shalt  }
0x75: {  	_ =	shalt  }
0x76: {  	_ =	shalt  }
0x77: {  	_ =	shalt  }
0x78: {  	_ =	shalt  }
0x79: {  	_ =	shalt  }
0x7a: {  	_ =	shalt  }
0x7b: {  	_ =	shalt  }
0x7c: {  	_ =	shalt  }
0x7d: {  	_ =	shalt  }
0x7e: {  	_ =	shalt  }
0x7f: {  	_ =	shalt  }
0x80: {  	_ =	shalt  }
0x81: {  	_ =	shalt  }
0x82: {  	_ =	shalt  }
0x83: {  	_ =	shalt  }
0x84: {  	_ =	shalt  }
0x85: {  	_ =	shalt  }
0x86: {  	_ =	shalt  }
0x87: {  	_ =	shalt  }
.Lfunc_end0:
.L_simem_size_0:
called_computation_lowered:
.L_overlay_start_0:
0x88: {  	s2 =	sld [smem:$0x3FD9]  }
0x89: {  	s3 =	sld [smem:$0x3FFE];
	_ =	sdelay $0x1  }
0x8a: {  	s1 =	srdreg.scid  }
0x8b: {  	s0 =	sand.u32 $0x1, s1  }
0x8c: {  	s14 =	sshll.u32 s0, $0xA;
	s2 =	sadd.s32 s3, s2  }
0x8d: {  	s2 =	sadd.s32 s2, s14  }
0x8e: {  	[smem:$0x3FC4] =	sst s2  }
0x8f: {  	_ = 	snop  }
0x90: {  	s2 =	sld [smem:$0x3FD0];
	_ =	sdelay $0x2  }
0x91: {  	s4 =	simm.s32 $0xA;
	s5 =	simm.s32 $0x10;
	s15 =	sld [smem:$0x3FC8]  }
0x92: {  	[smem:s5], [sflag:s4] =	dma.local [hbm:s2], $0x1  }
0x93: {  	_ =	swait.eq [sflag:s4], $0x1  }
0x94: {  	[sflag:s4] =	ssyncset.done $0x0  }
0x95: {  	[sflag:s4] =	ssyncadd.s32 $0xFFFFFFFF  }
0x96: {  	s16 =	sld [smem:$0x10];
	(tm) =	ssettm $0x1  }
0x97: {  	s17 =	sld [smem:$0x3FFB];
	_ =	sdelay $0x3  }
0x98: {  	_ =	strace s17  }
0x99: {  	s4 =	sld [smem:$0x3FFC];
	_ =	sdelay $0x3  }
0x9a: {  	_ =	strace s4  }
0x9b: {  	s4 =	sld [smem:$0x3FFD];
	_ =	sdelay $0x3  }
0x9c: {  	_ =	strace s4  }
0x9d: {  	_ =	strace $0x8FFFFFFF  }
0x9e: {  	s18 =	sld [smem:$0x3FDB];
	_ =	sdelay $0x1  }
0x9f: {  	s19 =	simm.s32 $_scs_section_size  }
0xa0: {  	s6 =	simm.s32 $_size__tile_overlayer_lowered;
	s7 =	simm.s32 $_tile_overlayer_lowered  }
0xa1: {  	s22 =	simm.s32 $0x1BFF;
	s21 =	sshll.u32 s7, $0x1;
	s4 =	sadd.s32 s19, s18  }
0xa2: {  	s8 =	simm.s32 $0x0;
	s20 =	sshll.u32 s6, $0x1;
	s6 =	sadd.s32 s21, s4  }
0xa3: {  	[timem:s8], [sflag:s22] =	dma.local [hbm:s6], s20  }
0xa4: {  	_ =	swait.ge [sflag:s22], s20  }
0xa5: {  	s5 =	ssub.s32 $0x0, s20;
	[sflag:s22] =	ssyncset.done $0x0  }
0xa6: {  	[sflag:s22] =	ssyncadd.s32 s5;
	_ =	sdelay $0x1  }
0xa7: {  	s23 =	simm.s32 $0x1B8B  }
0xa8: {  	_ =	swait.ge [sflag:s23], $0x1  }
0xa9: {  	[sflag:s23] =	ssyncset.done $0x0  }
0xaa: {  	s25 =	simm.s32 $0x1B8E;
	s24 =	sld [smem:$0x3FFE];
	[sflag:s23] =	ssyncadd.s32 $0xFFFFFFFF  }
0xab: {  	s26 =	simm.s32 $execute0_lowered;
	[smem:$0x3FD2] =	sst s25  }
0xac: {  	s6 =	sshll.u32 s26, $0x1;
	_ =	strace $0x80000046;
	[dreg:$0x1] =	wrdreg $0xFFFFFFFF  }
0xad: {  	s28 =	simm.s32 $_size_execute0_lowered;
	s4 =	sadd.s32 s4, s6;
	[dreg:$0x0] =	wrdreg $0x0  }
0xae: {  	s6 =	sshll.u32 s28, $0x1;
	[dreg:$0x2] =	wrdreg s4  }
0xaf: {  	[dreg:$0x3] =	wrdreg s6  }
0xb0: {  	[dreg:$0x4] =	wrdreg $0xC0  }
0xb1: {  	_ =	task [dreg:s8], $0x5FFFF  }
0xb2: {  	[dreg:$0x1] =	wrdreg $0xFFFFFFFF  }
0xb3: {  	[dreg:$0x0] =	wrdreg $0x60  }
0xb4: {  	[dreg:$0x2] =	wrdreg s24  }
0xb5: {  	[dreg:$0x3] =	wrdreg s15  }
0xb6: {  	[dreg:$0x4] =	wrdreg s16  }
0xb7: {  	[dreg:$0x5] =	wrdreg $0x9  }
0xb8: {  	_ =	task.clear_ibuf [dreg:s8], $0x6FFFF;
	_ =	strace $0x90000046  }
0xb9: {  	s29 =	simm.s32 $0x9;
	_ =	strace $0x80000048  }
0xba: {  	_ =	swait.ge [sflag:s29], $0x1  }
0xbb: {  	[sflag:s29] =	ssyncadd.s32 $0xFFFFFFFF  }
0xbc: {  	_ =	strace $0x90000048  }
0xbd: {  	_ =	sfence  }
0xbe: {  	s30 =	sld [smem:$0x0];
	_ =	sdelay $0x2  }
0xbf: {  	s31 =	sshll.u32 s1, $0xD;
	s1 =	sshrl.u32 s1, $0x2  }
0xc0: {  	s3 =	sand.u32 $0x4000, s31;
	s1 =	sadd.s32 s1, s30  }
0xc1: {  	s0 =	sor.u32 s3, s0;
	s1 =	sshll.u32 s1, $0x11  }
0xc2: {  	s0 =	sor.u32 s1, s0  }
0xc3: {  	s0 =	sadd.s32 $0x8F2B, s0  }
0xc4: {  	[sflag:s0] =	ssyncadd.remote.s32 $0x1  }
0xc5: {  	_ =	sfence.sel $0xFFFF  }
0xc6: {  	[dreg:$0x0] =	wrdreg $0xFFFFFFFF;
	(pc) =	sbr.abs _section_cstart, $3  }
0xc7: {  	[dreg:$0x1] =	wrdreg $0xFFFFFFFF  }
0xc8: {  	_ =	task.clear_ibuf [dreg:s8], $0x2FFFF;
	_ =	strace $0x9FFFFFFF  }
0xc9: {  	(tm) =	ssettm $0x7FFFFFFF  }
tec
execute0_lowered:
.L_overlay_start_1:
0x0: {  	(tag) =	ssettag $0x1  }
0x1: {  	s1 =	srdreg.scid;
	s4 =	rddreg [dreg:$0x0]  }
0x2: {  	s0 =	stileid.u32;
	s8 =	rddreg [dreg:$0x1]  }
0x3: {  	s5 =	simm.s32 $0x1;
	s10 =	rddreg [dreg:$0x2];
	s2 =	simm.s32 $0x0  }
0x4: {  	s6 =	simm.s32 $0x7D00;
	s14 =	simm.s32 $0x2000;
	s15 =	simm.s32 $0x9D00  }
0x5: {  	s16 =	simm.s32 $0x5E80;
	s17 =	simm.s32 $0xDB80;
	s18 =	simm.s32 $0x2  }
0x6: {  	s19 =	simm.s32 $0x11A00;
	s20 =	simm.s32 $0x3;
	s3 =	sand.u32 $0x1, s1  }
0x7: {  	s21 =	simm.s32 $0x15880;
	s22 =	simm.s32 $0x4;
	s1 =	sor.u32 s3, s0  }
0x8: {  	s23 =	simm.s32 $0x5;
	p0 =	seq.s32 s3, $0x1;
	p1 =	seq.s32 s1, $0x0  }
0x9: {  	s24 =	simm.s32 $0x0;
	[smem:$0x7FF] =	sst s2;
	p1 =	por !p1, !p0  }
0xa: {  	s9 =	sadd.s32 $0xC00, s4;
	s13 =	ssub.s32 $0x2, s3;
	p1 =	por !p1, !p1  }
0xb: {  	s3 =	sadd.s32 $0x20000, s4;
	s4 =	simm.s32 $0x1;
	s5 =	simm.s32 @!p1 $0x0  }
0xc: {  	s1 =	rddreg [dreg:$0x3];
	_ =	strace $0x80000047;
	s5 =	ssub.s32 s0, s5  }
0xd: {  	s7 =	sshrl.u32 s5, $0x3;
	s11 =	sshll.u32 s5, $0x7;
	s5 =	smul.u32 $0xFA00, s5  }
0xe: {  	s6 =	simm.s32 @!p0 $0x0;
	s28 =	sshrl.u32 s13, $0x1;
	s7 =	smul.u32 $0x7D000, s7  }
0xf: {  	s12 =	sshll.u32 s6, $0x3;
	s26 =	sand.u32 $0x380, s11;
	s11 =	ssub.s32 s13, s28  }
0x10: {  	s6 =	sadd.s32 s6, s5;
	s11 =	smax.u32 s11, $0x1;
	s7 =	sadd.s32 s12, s7  }
0x11: {  	s30 =	sshrl.u32 s6, $0x3;
	s31 =	sadd.s32 $0x3E80, s6;
	s7 =	sor.u32 s26, s7  }
0x12: {  	s12 =	simm.s32 $0x80;
	s29 =	sshrl.u32 s7, $0x3;
	s7 =	sadd.s32 $0x1F400, s7  }
0x13: {  	s6 =	sadd.s32 s8, s30;
	s13 =	sshrl.u32 s31, $0x3;
	s7 =	sshrl.u32 s7, $0x3  }
0x14: {  	s8 =	sadd.s32 s8, s13;
	s5 =	sadd.s32 s9, s29;
	s7 =	sadd.s32 s9, s7  }
0x15: {  	s9 =	sadd.s32 s10, s30;
	s10 =	sadd.s32 s10, s13;
	s13 =	simm.s32 $0x400  }
.LBB2_1:
0x16: {  	[tilespmem:s2], [sflag:$0x1] =	stream.linear.gather [hbm4b:s3+s2], $0x2000, $0x38;
	[tilespmem:$0x19700] =	vst v63  }
0x17: {  	_ = 	snop  }
0x18: {  	[tilespmem:s14], [sflag:$0x2] =	stream.strided.gather [hbm4b:s5+s12], $0x3E80, s13, s12, $0x38;
	[tilespmem:$0x19700] =	vst v63  }
0x19: {  	_ = 	snop  }
0x1a: {  	[tilespmem:s15], [sflag:$0x2] =	stream.linear.gather [hbm4b:s6+s2], $0x3E80, $0x38;
	[tilespmem:$0x19700] =	vst v63  }
0x1b: {  	_ =	swait.ge [sflag:s4], $0x2000  }
0x1c: {  	[sflag:s4] =	ssyncset.done $0x0  }
0x1d: {  	[sflag:s4] =	ssyncadd.s32 $0xFFFFE000  }
0x1e: {  	[tilespmem:s16], [sflag:$0x3] =	stream.strided.gather [hbm4b:s7+s12], $0x3E80, s13, s12, $0x38;
	[tilespmem:$0x19700] =	vst v63  }
0x1f: {  	_ = 	snop  }
0x20: {  	[tilespmem:s17], [sflag:$0x3] =	stream.linear.gather [hbm4b:s8+s2], $0x3E80, $0x38;
	[tilespmem:$0x19700] =	vst v63  }
0x21: {  	_ =	swait.ge [sflag:s18], $0x3E80  }
0x22: {  	[sflag:s18] =	ssyncset.done $0x0  }
0x23: {  	[sflag:s18] =	ssyncadd.s32 $0xFFFFC180  }
0x24: {  	_ =	swait.ge [sflag:s18], $0x3E80  }
0x25: {  	[sflag:s18] =	ssyncset.done $0x0  }
0x26: {  	s25 =	simm.s32 $0x2040;
	[sflag:s18] =	ssyncadd.s32 $0xFFFFC180  }
0x27: {  	v0 =	vld [tilespmem:s25+$0x20];
	_ =	sdelay $0x1  }
0x28: {  	v1 =	vld [tilespmem:s25+$0xFFFFFFC0]  }
0x29: {  	v2 =	vld [tilespmem:s25+$0xFFFFFFD0]  }
0x2a: {  	v5 =	vld [tilespmem:s25+$0xFFFFFFF0]  }
0x2b: {  	v3 =	vtrunc.f32 v0  }
0x2c: {  	v9 =	vld [tilespmem:s25+$0x30];
	v6 =	vcvt.f32.s32 v3  }
0x2d: {  	v4 =	vtrunc.f32 v1  }
0x2e: {  	v15 =	vld [tilespmem:s25+$0xFFFFFFE0];
	v8 =	vcvt.f32.s32 v4;
	v3 =	vtrunc.f32 v2  }
0x2f: {  	s28 =	simm.s32 $0x9D40;
	v11 =	vld [tilespmem:s25+$0x0];
	v4 =	vtrunc.f32 v5;
	v10 =	vcvt.f32.s32 v3  }
0x30: {  	v20 =	vld [tilespmem:s28+$0x20];
	v12 =	vcvt.f32.s32 v4  }
0x31: {  	v7 =	vtrunc.f32 v9;
	v3 =	vld [tilespmem:s25+$0x10]  }
0x32: {  	v13 =	vcvt.f32.s32 v7;
	v16 =	vld.idx.msk [tilespmem:v6+s2+$0x0], $0xffff  }
0x33: {  	v17 =	vtrunc.f32 v15;
	v4 =	vld [tilespmem:s28+$0xFFFFFFC0]  }
0x34: {  	v14 =	vcvt.s32.f32 v6;
	v22 =	vcvt.s32.f32 v13;
	v7 =	vld.idx.msk [tilespmem:v8+s2+$0x0], $0xffff  }
0x35: {  	v6 =	vtrunc.f32 v11;
	v8 =	vcvt.s32.f32 v8;
	v19 =	vld.idx.msk [tilespmem:v10+s2+$0x0], $0xffff  }
0x36: {  	s30 =	simm.s32 $0x20C0;
	v0 =	vsub.f32 v0, v14;
	v6 =	vcvt.f32.s32 v6;
	v10 =	vcvt.s32.f32 v10;
	v23 =	vld.idx.msk [tilespmem:v12+s2+$0x0], $0xffff  }
0x37: {  	v12 =	vcvt.s32.f32 v12;
	v25 =	vsub.f32 v1, v8;
	v1 =	vld [tilespmem:s30+$0x30];
	v14 =	vand.u32 $0xFFFF0000, v16  }
0x38: {  	v21 =	vtrunc.f32 v3;
	v8 =	vld [tilespmem:s30+$0x10];
	v10 =	vsub.f32 v2, v10;
	v0 =	vmul.f32 v14, v0  }
0x39: {  	v18 =	vsub.f32 v5, v12;
	v12 =	vld [tilespmem:s30+$0x20];
	v29 =	vcvt.s32.f32 v6;
	v2 =	vshll.u32 v16, $0x10  }
0x3a: {  	v16 =	vcvt.f32.s32 v17;
	v17 =	vcvt.f32.s32 v21;
	v14 =	vld.idx.msk [tilespmem:v13+s2+$0x0], $0xffff;
	v0 =	vadd.f32 v2, v0  }
0x3b: {  	v27 =	vand.u32 $0xFFFF0000, v7;
	v11 =	vsub.f32 v11, v29;
	v5 =	vand.u32 $0xFFFF0000, v19;
	v2 =	vld [tilespmem:s30+$0xFFFFFFC0]  }
0x3c: {  	v13 =	vld [tilespmem:s28+$0xFFFFFFD0];
	v21 =	vshll.u32 v23, $0x10;
	v28 =	vmul.f32 v0, v20;
	v0 =	vmul.f32 v5, v10  }
0x3d: {  	v26 =	vand.u32 $0xFFFF0000, v23;
	v23 =	vmul.f32 v27, v25;
	v5 =	vshll.u32 v19, $0x10;
	v10 =	vld [tilespmem:s30+$0x0]  }
0x3e: {  	v20 =	vsub.f32 v9, v22;
	v9 =	vcvt.s32.f32 v16;
	v19 =	vadd.f32 v5, v0;
	v5 =	vld [tilespmem:s30+$0xFFFFFFF0]  }
0x3f: {  	s26 =	simm.s32 $0x11A40;
	v24 =	vcvt.s32.f32 v17;
	v25 =	vtrunc.f32 v1;
	v27 =	vand.u32 $0xFFFF0000, v14;
	v0 =	vld [tilespmem:s30+$0xFFFFFFE0]  }
0x40: {  	s31 =	simm.s32 $0x80;
	s29 =	simm.s32 $0x9D40;
	s25 =	simm.s32 $0x11A40;
	v9 =	vsub.f32 v15, v9;
	[tilespmem:s26+$0x20] =	vst v28;
	v15 =	vld [tilespmem:s30+$0xFFFFFFD0];
	v28 =	vtrunc.f32 v12;
	v22 =	vtrunc.f32 v2  }
.LBB2_2:
0x41: {  	s31 =	sadd.s32 $0x80, s31;
	v28 =	vcvt.f32.s32 v28;
	v16 =	vld.idx.msk [tilespmem:v16+s2+$0x0], $0xffff;
	v18 =	vmul.f32 v26, v18;
	v24 =	vsub.f32 v3, v24;
	s28 =	sadd.s32 $0x80, s28;
	s26 =	sadd.s32 $0x80, s26;
	v3 =	vmovc v8  }
0x42: {  	v25 =	vcvt.f32.s32 v25;
	v14 =	vshll.u32 v14, $0x10;
	p0 =	slt.u32 s31, $0x3E00;
	v8 =	vtrunc.f32 v10;
	v17 =	vld.idx.msk [tilespmem:v17+s2+$0x0], $0xffff;
	v29 =	vmovc v10  }
0x43: {  	v10 =	vtrunc.f32 v5;
	v18 =	vadd.f32 v21, v18;
	v21 =	vld.idx.msk [tilespmem:v6+s2+$0x0], $0xffff;
	v6 =	vmul.f32 v27, v20  }
0x44: {  	v7 =	vshll.u32 v7, $0x10;
	v20 =	vcvt.f32.s32 v22;
	v22 =	vtrunc.f32 v0;
	v26 =	vld [tilespmem:s29+$0x0]  }
0x45: {  	v13 =	vmul.f32 v19, v13;
	v7 =	vadd.f32 v7, v23;
	v27 =	vtrunc.f32 v15;
	v19 =	vld [tilespmem:s29+$0x30]  }
0x46: {  	v23 =	vcvt.s32.f32 v20;
	v14 =	vadd.f32 v14, v6;
	v27 =	vcvt.f32.s32 v27;
	v30 =	vld [tilespmem:s29+$0xFFFFFFF0]  }
0x47: {  	v31 =	vcvt.s32.f32 v28;
	v4 =	vmul.f32 v7, v4;
	v28 =	vld.idx.msk [tilespmem:v28+s2+$0x0], $0xffff;
	[tilespmem:s25+$0xFFFFFFD0] =	vst v13;
	v13 =	vand.u32 $0xFFFF0000, v16  }
0x48: {  	v10 =	vcvt.f32.s32 v10;
	v6 =	vcvt.f32.s32 v8;
	v8 =	vshll.u32 v17, $0x10;
	v32 =	vld [tilespmem:s29+$0xFFFFFFE0]  }
0x49: {  	v12 =	vsub.f32 v12, v31;
	v33 =	vcvt.s32.f32 v27;
	v31 =	vshll.u32 v21, $0x10;
	[tilespmem:s25+$0xFFFFFFC0] =	vst v4;
	v34 =	vld [tilespmem:s29+$0x10];
	s29 =	smov.u32 s28  }
0x4a: {  	v35 =	vcvt.s32.f32 v25;
	v17 =	vand.u32 $0xFFFF0000, v17;
	v7 =	vld.idx.msk [tilespmem:v20+s2+$0x0], $0xffff;
	v20 =	vtrunc.f32 v3  }
0x4b: {  	v17 =	vmul.f32 v17, v24;
	v15 =	vsub.f32 v15, v33;
	v33 =	vcvt.s32.f32 v10;
	v4 =	vld [tilespmem:s28+$0xFFFFFFC0]  }
0x4c: {  	v19 =	vmul.f32 v14, v19;
	v18 =	vmul.f32 v18, v30;
	v24 =	vld.idx.msk [tilespmem:v27+s2+$0x0], $0xffff;
	v27 =	vshll.u32 v16, $0x10  }
0x4d: {  	v21 =	vand.u32 $0xFFFF0000, v21;
	v8 =	vadd.f32 v8, v17;
	v14 =	vand.u32 $0xFFFF0000, v28;
	v30 =	vld [tilespmem:s28+$0x20]  }
0x4e: {  	v23 =	vsub.f32 v2, v23;
	v16 =	vcvt.f32.s32 v22;
	v2 =	vmul.f32 v14, v12;
	v36 =	vld.idx.msk [tilespmem:v10+s2+$0x0], $0xffff  }
0x4f: {  	v9 =	vmul.f32 v13, v9;
	v11 =	vmul.f32 v21, v11;
	v10 =	vshll.u32 v28, $0x10;
	v14 =	vld.idx.msk [tilespmem:v25+s2+$0x0], $0xffff;
	[tilespmem:s25+$0xFFFFFFF0] =	vst v18  }
0x50: {  	s30 =	sadd.s32 $0x80, s30;
	v8 =	vmul.f32 v8, v34;
	v18 =	vsub.f32 v5, v33;
	v5 =	vadd.f32 v10, v2;
	v13 =	vld [tilespmem:s28+$0xFFFFFFD0];
	[tilespmem:s25+$0x30] =	vst v19  }
0x51: {  	v17 =	vcvt.f32.s32 v20;
	v28 =	vand.u32 $0xFFFF0000, v7;
	v10 =	vadd.f32 v31, v11;
	v2 =	vld [tilespmem:s30+$0xFFFFFFC0]  }
0x52: {  	v9 =	vadd.f32 v27, v9;
	v19 =	vand.u32 $0xFFFF0000, v24;
	v11 =	vld [tilespmem:s30+$0x30];
	v5 =	vmul.f32 v5, v30;
	[tilespmem:s25+$0x10] =	vst v8  }
0x53: {  	v21 =	vshll.u32 v24, $0x10;
	v22 =	vmul.f32 v10, v26;
	v15 =	vmul.f32 v19, v15;
	v12 =	vld [tilespmem:s30+$0x20]  }
.Ltmp0:
0x54: {  	v20 =	vsub.f32 v1, v35;
	v24 =	vcvt.s32.f32 v17;
	v30 =	vmul.f32 v9, v32;
	v8 =	vld [tilespmem:s30+$0x10];
	[tilespmem:s26+$0x20] =	vst v5;
	(pc) =	sbr.rel @p0 .LBB2_2-.Ltmp0, $4  }
0x55: {  	v9 =	vcvt.s32.f32 v16;
	v19 =	vadd.f32 v21, v15;
	v21 =	vshll.u32 v36, $0x10;
	v10 =	vld [tilespmem:s30+$0x0];
	[tilespmem:s25+$0x0] =	vst v22  }
0x56: {  	v27 =	vcvt.s32.f32 v6;
	v26 =	vand.u32 $0xFFFF0000, v36;
	v22 =	vtrunc.f32 v2;
	v5 =	vld [tilespmem:s30+$0xFFFFFFF0];
	[tilespmem:s25+$0xFFFFFFE0] =	vst v30;
	s25 =	smov.u32 s26  }
0x57: {  	v23 =	vmul.f32 v28, v23;
	v9 =	vsub.f32 v0, v9;
	v25 =	vtrunc.f32 v11;
	v0 =	vld [tilespmem:s30+$0xFFFFFFE0];
	v1 =	vmovc v11  }
0x58: {  	v11 =	vsub.f32 v29, v27;
	v27 =	vand.u32 $0xFFFF0000, v14;
	v15 =	vld [tilespmem:s30+$0xFFFFFFD0];
	v28 =	vtrunc.f32 v12  }
0x59: {  	_ = 	snop  }
0x5a: {  	v28 =	vcvt.f32.s32 v28;
	v18 =	vmul.f32 v26, v18;
	v3 =	vsub.f32 v3, v24  }
0x5b: {  	v25 =	vcvt.f32.s32 v25;
	v14 =	vshll.u32 v14, $0x10;
	v20 =	vmul.f32 v27, v20  }
0x5c: {  	v22 =	vcvt.f32.s32 v22;
	v7 =	vshll.u32 v7, $0x10;
	v13 =	vmul.f32 v19, v13  }
0x5d: {  	v16 =	vld.idx.msk [tilespmem:v16+s2+$0x0], $0xffff;
	v33 =	vtrunc.f32 v8;
	v24 =	vtrunc.f32 v10;
	v7 =	vadd.f32 v7, v23  }
0x5e: {  	v17 =	vld.idx.msk [tilespmem:v17+s2+$0x0], $0xffff;
	v26 =	vtrunc.f32 v5;
	v18 =	vadd.f32 v21, v18;
	v21 =	vcvt.s32.f32 v22  }
0x5f: {  	v6 =	vld.idx.msk [tilespmem:v6+s2+$0x0], $0xffff;
	v14 =	vadd.f32 v14, v20;
	v20 =	vcvt.s32.f32 v28;
	v24 =	vcvt.f32.s32 v24  }
0x60: {  	v19 =	vld [tilespmem:s29+$0x30];
	v34 =	vcvt.s32.f32 v25;
	v27 =	vtrunc.f32 v0  }
0x61: {  	v4 =	vmul.f32 v7, v4;
	v29 =	vtrunc.f32 v15  }
0x62: {  	v35 =	vld [tilespmem:s29+$0x10];
	v26 =	vcvt.f32.s32 v26;
	v23 =	vcvt.f32.s32 v29  }
0x63: {  	v12 =	vsub.f32 v12, v20;
	v20 =	vld [tilespmem:s29+$0x0];
	v2 =	vsub.f32 v2, v21;
	v21 =	vcvt.f32.s32 v27  }
0x64: {  	v30 =	vshll.u32 v17, $0x10;
	v32 =	vshll.u32 v6, $0x10;
	v7 =	vld.idx.msk [tilespmem:v28+s2+$0x0], $0xffff;
	v28 =	vand.u32 $0xFFFF0000, v16  }
0x65: {  	v29 =	vld [tilespmem:s29+$0xFFFFFFF0];
	v17 =	vand.u32 $0xFFFF0000, v17;
	v14 =	vmul.f32 v14, v19;
	v9 =	vmul.f32 v28, v9  }
0x66: {  	v6 =	vand.u32 $0xFFFF0000, v6;
	v3 =	vmul.f32 v17, v3;
	v16 =	vshll.u32 v16, $0x10;
	v22 =	vld.idx.msk [tilespmem:v22+s2+$0x0], $0xffff  }
0x67: {  	v6 =	vmul.f32 v6, v11;
	v11 =	vcvt.f32.s32 v33;
	v9 =	vadd.f32 v16, v9;
	v16 =	vld.idx.msk [tilespmem:v25+s2+$0x0], $0xffff  }
0x68: {  	s28 =	sadd.s32 $0x80, s28;
	[tilespmem:s25+$0xFFFFFFD0] =	vst v13;
	v1 =	vsub.f32 v1, v34;
	v13 =	vcvt.s32.f32 v21;
	v31 =	vcvt.s32.f32 v23;
	v17 =	vld.idx.msk [tilespmem:v23+s2+$0x0], $0xffff  }
0x69: {  	v3 =	vadd.f32 v30, v3;
	v6 =	vadd.f32 v32, v6;
	v19 =	vand.u32 $0xFFFF0000, v7;
	v23 =	vld [tilespmem:s28+$0x20]  }
0x6a: {  	v0 =	vsub.f32 v0, v13;
	v15 =	vsub.f32 v15, v31;
	v12 =	vmul.f32 v19, v12;
	v19 =	vld [tilespmem:s29+$0xFFFFFFE0]  }
0x6b: {  	v31 =	vcvt.s32.f32 v26;
	v25 =	vcvt.s32.f32 v11;
	v7 =	vshll.u32 v7, $0x10  }
0x6c: {  	v18 =	vmul.f32 v18, v29;
	v3 =	vmul.f32 v3, v35;
	v7 =	vadd.f32 v7, v12;
	v12 =	vld.idx.msk [tilespmem:v26+s2+$0x0], $0xffff  }
0x6d: {  	[tilespmem:s25+$0x30] =	vst v14;
	v14 =	vld [tilespmem:s28+$0x30];
	v6 =	vmul.f32 v6, v20;
	v5 =	vsub.f32 v5, v31;
	v8 =	vsub.f32 v8, v25  }
0x6e: {  	v11 =	vld.idx.msk [tilespmem:v11+s2+$0x0], $0xffff;
	[tilespmem:s25+$0x10] =	vst v3;
	v3 =	vshll.u32 v16, $0x10;
	v27 =	vand.u32 $0xFFFF0000, v17;
	v7 =	vmul.f32 v7, v23  }
0x6f: {  	v13 =	vld.idx.msk [tilespmem:v24+s2+$0x0], $0xffff;
	v23 =	vand.u32 $0xFFFF0000, v22;
	v15 =	vmul.f32 v27, v15;
	v9 =	vmul.f32 v9, v19  }
0x70: {  	v20 =	vld [tilespmem:s28+$0xFFFFFFD0];
	v17 =	vshll.u32 v17, $0x10;
	v19 =	vcvt.s32.f32 v24;
	v2 =	vmul.f32 v23, v2  }
0x71: {  	[tilespmem:s25+$0xFFFFFFC0] =	vst v4;
	v21 =	vld.idx.msk [tilespmem:v21+s2+$0x0], $0xffff;
	v4 =	vadd.f32 v17, v15;
	v15 =	vshll.u32 v12, $0x10;
	v12 =	vand.u32 $0xFFFF0000, v12  }
0x72: {  	s26 =	sadd.s32 $0x80, s26;
	v26 =	vld [tilespmem:s28+$0xFFFFFFC0];
	v17 =	vand.u32 $0xFFFF0000, v16;
	v5 =	vmul.f32 v12, v5;
	v12 =	vshll.u32 v22, $0x10  }
0x73: {  	[tilespmem:s26+$0x20] =	vst v7;
	v7 =	vand.u32 $0xFFFF0000, v11;
	v1 =	vmul.f32 v17, v1;
	v2 =	vadd.f32 v12, v2;
	v12 =	vld [tilespmem:s28+$0xFFFFFFF0]  }
0x74: {  	v11 =	vshll.u32 v11, $0x10;
	v10 =	vsub.f32 v10, v19;
	v7 =	vmul.f32 v7, v8  }
0x75: {  	[tilespmem:s25+$0xFFFFFFF0] =	vst v18;
	v8 =	vand.u32 $0xFFFF0000, v13;
	v4 =	vmul.f32 v4, v20;
	v1 =	vadd.f32 v3, v1;
	v3 =	vld [tilespmem:s28+$0x10]  }
0x76: {  	[tilespmem:s25+$0x0] =	vst v6;
	v6 =	vld [tilespmem:s28+$0x0];
	v8 =	vmul.f32 v8, v10;
	v5 =	vadd.f32 v15, v5;
	v15 =	vand.u32 $0xFFFF0000, v21  }
0x77: {  	[tilespmem:s25+$0xFFFFFFE0] =	vst v9;
	v9 =	vld [tilespmem:s28+$0xFFFFFFE0];
	v13 =	vshll.u32 v13, $0x10;
	v2 =	vmul.f32 v2, v26;
	v0 =	vmul.f32 v15, v0  }
0x78: {  	[tilespmem:s26+$0xFFFFFFD0] =	vst v4;
	v1 =	vmul.f32 v1, v14;
	v4 =	vmul.f32 v5, v12;
	v5 =	vadd.f32 v11, v7  }
0x79: {  	[tilespmem:s26+$0xFFFFFFC0] =	vst v2;
	v2 =	vshll.u32 v21, $0x10;
	v7 =	vadd.f32 v13, v8  }
0x7a: {  	v0 =	vadd.f32 v2, v0;
	[tilespmem:s26+$0x30] =	vst v1;
	v3 =	vmul.f32 v5, v3  }
0x7b: {  	[tilespmem:s26+$0xFFFFFFF0] =	vst v4;
	v1 =	vmul.f32 v7, v6  }
0x7c: {  	v0 =	vmul.f32 v0, v9;
	[tilespmem:s26+$0x10] =	vst v3  }
0x7d: {  	[tilespmem:s26+$0x0] =	vst v1  }
0x7e: {  	[tilespmem:s26+$0xFFFFFFE0] =	vst v0  }
0x7f: {  	[hbm4b:s9+s2] =	stream.linear.scatter [tilespmem:s19], [sflag:$0x4], $0x3E80, $0x38;
	[tilespmem:$0x19700] =	vst v63  }
0x80: {  	_ =	swait.ge [sflag:s20], $0x3E80  }
0x81: {  	[sflag:s20] =	ssyncset.done $0x0  }
0x82: {  	[sflag:s20] =	ssyncadd.s32 $0xFFFFC180  }
0x83: {  	_ =	swait.ge [sflag:s20], $0x3E80  }
0x84: {  	[sflag:s20] =	ssyncset.done $0x0  }
0x85: {  	s26 =	simm.s32 $0x5EC0;
	[sflag:s20] =	ssyncadd.s32 $0xFFFFC180  }
0x86: {  	v0 =	vld [tilespmem:s26+$0x20];
	_ =	sdelay $0x1  }
0x87: {  	v1 =	vld [tilespmem:s26+$0xFFFFFFC0]  }
0x88: {  	v2 =	vld [tilespmem:s26+$0xFFFFFFD0]  }
0x89: {  	v5 =	vld [tilespmem:s26+$0xFFFFFFF0]  }
0x8a: {  	v3 =	vtrunc.f32 v0  }
0x8b: {  	v9 =	vld [tilespmem:s26+$0x30];
	v6 =	vcvt.f32.s32 v3  }
0x8c: {  	v4 =	vtrunc.f32 v1  }
0x8d: {  	v15 =	vld [tilespmem:s26+$0xFFFFFFE0];
	v8 =	vcvt.f32.s32 v4;
	v3 =	vtrunc.f32 v2  }
0x8e: {  	s28 =	simm.s32 $0xDBC0;
	v11 =	vld [tilespmem:s26+$0x0];
	v4 =	vtrunc.f32 v5;
	v10 =	vcvt.f32.s32 v3  }
0x8f: {  	v20 =	vld [tilespmem:s28+$0x20];
	v12 =	vcvt.f32.s32 v4  }
0x90: {  	v7 =	vtrunc.f32 v9;
	v3 =	vld [tilespmem:s26+$0x10]  }
0x91: {  	v13 =	vcvt.f32.s32 v7;
	v16 =	vld.idx.msk [tilespmem:v6+s2+$0x0], $0xffff  }
0x92: {  	v17 =	vtrunc.f32 v15;
	v4 =	vld [tilespmem:s28+$0xFFFFFFC0]  }
0x93: {  	v14 =	vcvt.s32.f32 v6;
	v22 =	vcvt.s32.f32 v13;
	v7 =	vld.idx.msk [tilespmem:v8+s2+$0x0], $0xffff  }
0x94: {  	v6 =	vtrunc.f32 v11;
	v8 =	vcvt.s32.f32 v8;
	v19 =	vld.idx.msk [tilespmem:v10+s2+$0x0], $0xffff  }
0x95: {  	s30 =	simm.s32 $0x5F40;
	v0 =	vsub.f32 v0, v14;
	v6 =	vcvt.f32.s32 v6;
	v10 =	vcvt.s32.f32 v10;
	v23 =	vld.idx.msk [tilespmem:v12+s2+$0x0], $0xffff  }
0x96: {  	v12 =	vcvt.s32.f32 v12;
	v27 =	vsub.f32 v1, v8;
	v1 =	vld [tilespmem:s30+$0x30];
	v14 =	vand.u32 $0xFFFF0000, v16  }
0x97: {  	v21 =	vtrunc.f32 v3;
	v8 =	vld [tilespmem:s30+$0x10];
	v10 =	vsub.f32 v2, v10;
	v0 =	vmul.f32 v14, v0  }
0x98: {  	v18 =	vsub.f32 v5, v12;
	v12 =	vld [tilespmem:s30+$0x20];
	v30 =	vcvt.s32.f32 v6;
	v2 =	vshll.u32 v16, $0x10  }
0x99: {  	v16 =	vcvt.f32.s32 v17;
	v17 =	vcvt.f32.s32 v21;
	v14 =	vld.idx.msk [tilespmem:v13+s2+$0x0], $0xffff;
	v0 =	vadd.f32 v2, v0  }
0x9a: {  	v28 =	vand.u32 $0xFFFF0000, v7;
	v5 =	vand.u32 $0xFFFF0000, v19;
	v21 =	vshll.u32 v23, $0x10;
	v2 =	vld [tilespmem:s30+$0xFFFFFFC0]  }
0x9b: {  	v13 =	vld [tilespmem:s28+$0xFFFFFFD0];
	v26 =	vand.u32 $0xFFFF0000, v23;
	v29 =	vmul.f32 v0, v20;
	v0 =	vmul.f32 v5, v10  }
0x9c: {  	v23 =	vmul.f32 v28, v27;
	v24 =	vcvt.s32.f32 v17;
	v5 =	vshll.u32 v19, $0x10;
	v10 =	vld [tilespmem:s30+$0x0]  }
0x9d: {  	v20 =	vsub.f32 v9, v22;
	v9 =	vcvt.s32.f32 v16;
	v19 =	vadd.f32 v5, v0;
	v5 =	vld [tilespmem:s30+$0xFFFFFFF0]  }
0x9e: {  	s26 =	simm.s32 $0x158C0;
	v11 =	vsub.f32 v11, v30;
	v25 =	vtrunc.f32 v1;
	v28 =	vtrunc.f32 v12;
	v0 =	vld [tilespmem:s30+$0xFFFFFFE0]  }
0x9f: {  	s31 =	simm.s32 $0x80;
	s29 =	simm.s32 $0xDBC0;
	s25 =	simm.s32 $0x158C0;
	v27 =	vand.u32 $0xFFFF0000, v14;
	v9 =	vsub.f32 v15, v9;
	[tilespmem:s26+$0x20] =	vst v29;
	v15 =	vld [tilespmem:s30+$0xFFFFFFD0];
	v22 =	vtrunc.f32 v2  }
.LBB2_4:
0xa0: {  	s31 =	sadd.s32 $0x80, s31;
	v28 =	vcvt.f32.s32 v28;
	v16 =	vld.idx.msk [tilespmem:v16+s2+$0x0], $0xffff;
	v18 =	vmul.f32 v26, v18;
	v24 =	vsub.f32 v3, v24;
	s28 =	sadd.s32 $0x80, s28;
	s26 =	sadd.s32 $0x80, s26;
	v3 =	vmovc v8  }
0xa1: {  	v25 =	vcvt.f32.s32 v25;
	v14 =	vshll.u32 v14, $0x10;
	p0 =	slt.u32 s31, $0x3E00;
	v8 =	vtrunc.f32 v10;
	v17 =	vld.idx.msk [tilespmem:v17+s2+$0x0], $0xffff;
	v29 =	vmovc v10  }
0xa2: {  	v10 =	vtrunc.f32 v5;
	v18 =	vadd.f32 v21, v18;
	v21 =	vld.idx.msk [tilespmem:v6+s2+$0x0], $0xffff;
	v6 =	vmul.f32 v27, v20  }
0xa3: {  	v7 =	vshll.u32 v7, $0x10;
	v20 =	vcvt.f32.s32 v22;
	v22 =	vtrunc.f32 v0;
	v26 =	vld [tilespmem:s29+$0x0]  }
0xa4: {  	v13 =	vmul.f32 v19, v13;
	v7 =	vadd.f32 v7, v23;
	v27 =	vtrunc.f32 v15;
	v19 =	vld [tilespmem:s29+$0x30]  }
0xa5: {  	v23 =	vcvt.s32.f32 v20;
	v14 =	vadd.f32 v14, v6;
	v27 =	vcvt.f32.s32 v27;
	v30 =	vld [tilespmem:s29+$0xFFFFFFF0]  }
0xa6: {  	v31 =	vcvt.s32.f32 v28;
	v4 =	vmul.f32 v7, v4;
	v28 =	vld.idx.msk [tilespmem:v28+s2+$0x0], $0xffff;
	[tilespmem:s25+$0xFFFFFFD0] =	vst v13;
	v13 =	vand.u32 $0xFFFF0000, v16  }
0xa7: {  	v10 =	vcvt.f32.s32 v10;
	v6 =	vcvt.f32.s32 v8;
	v8 =	vshll.u32 v17, $0x10;
	v32 =	vld [tilespmem:s29+$0xFFFFFFE0]  }
0xa8: {  	v12 =	vsub.f32 v12, v31;
	v33 =	vcvt.s32.f32 v27;
	v31 =	vshll.u32 v21, $0x10;
	[tilespmem:s25+$0xFFFFFFC0] =	vst v4;
	v34 =	vld [tilespmem:s29+$0x10];
	s29 =	smov.u32 s28  }
0xa9: {  	v35 =	vcvt.s32.f32 v25;
	v17 =	vand.u32 $0xFFFF0000, v17;
	v7 =	vld.idx.msk [tilespmem:v20+s2+$0x0], $0xffff;
	v20 =	vtrunc.f32 v3  }
0xaa: {  	v17 =	vmul.f32 v17, v24;
	v15 =	vsub.f32 v15, v33;
	v33 =	vcvt.s32.f32 v10;
	v4 =	vld [tilespmem:s28+$0xFFFFFFC0]  }
0xab: {  	v19 =	vmul.f32 v14, v19;
	v18 =	vmul.f32 v18, v30;
	v24 =	vld.idx.msk [tilespmem:v27+s2+$0x0], $0xffff;
	v27 =	vshll.u32 v16, $0x10  }
0xac: {  	v21 =	vand.u32 $0xFFFF0000, v21;
	v8 =	vadd.f32 v8, v17;
	v14 =	vand.u32 $0xFFFF0000, v28;
	v30 =	vld [tilespmem:s28+$0x20]  }
0xad: {  	v23 =	vsub.f32 v2, v23;
	v16 =	vcvt.f32.s32 v22;
	v2 =	vmul.f32 v14, v12;
	v36 =	vld.idx.msk [tilespmem:v10+s2+$0x0], $0xffff  }
0xae: {  	v9 =	vmul.f32 v13, v9;
	v11 =	vmul.f32 v21, v11;
	v10 =	vshll.u32 v28, $0x10;
	v14 =	vld.idx.msk [tilespmem:v25+s2+$0x0], $0xffff;
	[tilespmem:s25+$0xFFFFFFF0] =	vst v18  }
0xaf: {  	s30 =	sadd.s32 $0x80, s30;
	v8 =	vmul.f32 v8, v34;
	v18 =	vsub.f32 v5, v33;
	v5 =	vadd.f32 v10, v2;
	v13 =	vld [tilespmem:s28+$0xFFFFFFD0];
	[tilespmem:s25+$0x30] =	vst v19  }
0xb0: {  	v17 =	vcvt.f32.s32 v20;
	v28 =	vand.u32 $0xFFFF0000, v7;
	v10 =	vadd.f32 v31, v11;
	v2 =	vld [tilespmem:s30+$0xFFFFFFC0]  }
0xb1: {  	v9 =	vadd.f32 v27, v9;
	v19 =	vand.u32 $0xFFFF0000, v24;
	v11 =	vld [tilespmem:s30+$0x30];
	v5 =	vmul.f32 v5, v30;
	[tilespmem:s25+$0x10] =	vst v8  }
0xb2: {  	v21 =	vshll.u32 v24, $0x10;
	v22 =	vmul.f32 v10, v26;
	v15 =	vmul.f32 v19, v15;
	v12 =	vld [tilespmem:s30+$0x20]  }
.Ltmp1:
0xb3: {  	v20 =	vsub.f32 v1, v35;
	v24 =	vcvt.s32.f32 v17;
	v30 =	vmul.f32 v9, v32;
	v8 =	vld [tilespmem:s30+$0x10];
	[tilespmem:s26+$0x20] =	vst v5;
	(pc) =	sbr.rel @p0 .LBB2_4-.Ltmp1, $4  }
0xb4: {  	v9 =	vcvt.s32.f32 v16;
	v19 =	vadd.f32 v21, v15;
	v21 =	vshll.u32 v36, $0x10;
	v10 =	vld [tilespmem:s30+$0x0];
	[tilespmem:s25+$0x0] =	vst v22  }
0xb5: {  	v27 =	vcvt.s32.f32 v6;
	v26 =	vand.u32 $0xFFFF0000, v36;
	v22 =	vtrunc.f32 v2;
	v5 =	vld [tilespmem:s30+$0xFFFFFFF0];
	[tilespmem:s25+$0xFFFFFFE0] =	vst v30;
	s25 =	smov.u32 s26  }
0xb6: {  	v23 =	vmul.f32 v28, v23;
	v9 =	vsub.f32 v0, v9;
	v25 =	vtrunc.f32 v11;
	v0 =	vld [tilespmem:s30+$0xFFFFFFE0];
	v1 =	vmovc v11  }
0xb7: {  	v11 =	vsub.f32 v29, v27;
	v27 =	vand.u32 $0xFFFF0000, v14;
	v15 =	vld [tilespmem:s30+$0xFFFFFFD0];
	v28 =	vtrunc.f32 v12  }
0xb8: {  	v28 =	vcvt.f32.s32 v28  }
0xb9: {  	v18 =	vmul.f32 v26, v18;
	v25 =	vcvt.f32.s32 v25  }
0xba: {  	v20 =	vmul.f32 v27, v20;
	v22 =	vcvt.f32.s32 v22  }
0xbb: {  	v3 =	vsub.f32 v3, v24;
	v13 =	vmul.f32 v19, v13;
	v33 =	vtrunc.f32 v8  }
0xbc: {  	v14 =	vshll.u32 v14, $0x10;
	v45 =	vtrunc.f32 v10;
	v63 =	vcvt.f32.s32 v33  }
0xbd: {  	v16 =	vld.idx.msk [tilespmem:v16+s2+$0x0], $0xffff;
	v7 =	vshll.u32 v7, $0x10;
	v46 =	vtrunc.f32 v5;
	v49 =	vcvt.s32.f32 v22  }
0xbe: {  	v17 =	vld.idx.msk [tilespmem:v17+s2+$0x0], $0xffff;
	v7 =	vadd.f32 v7, v23;
	v52 =	vcvt.s32.f32 v28;
	v24 =	vcvt.f32.s32 v45  }
0xbf: {  	v6 =	vld.idx.msk [tilespmem:v6+s2+$0x0], $0xffff;
	v18 =	vadd.f32 v21, v18;
	v34 =	vcvt.s32.f32 v25;
	v47 =	vtrunc.f32 v0  }
0xc0: {  	v51 =	vld [tilespmem:s29+$0xFFFFFFF0];
	v14 =	vadd.f32 v14, v20;
	v4 =	vmul.f32 v7, v4;
	v26 =	vcvt.f32.s32 v46  }
0xc1: {  	v39 =	vcvt.s32.f32 v63;
	v29 =	vtrunc.f32 v15;
	v12 =	vsub.f32 v12, v52  }
0xc2: {  	v48 =	vld [tilespmem:s29+$0x30];
	v2 =	vsub.f32 v2, v49;
	v62 =	vcvt.f32.s32 v47;
	v1 =	vsub.f32 v1, v34  }
0xc3: {  	v55 =	vld [tilespmem:s29+$0x0];
	v41 =	vcvt.s32.f32 v24;
	v50 =	vcvt.f32.s32 v29;
	v54 =	vand.u32 $0xFFFF0000, v16  }
0xc4: {  	v35 =	vld [tilespmem:s29+$0x10];
	v30 =	vshll.u32 v17, $0x10;
	v32 =	vshll.u32 v6, $0x10;
	v17 =	vand.u32 $0xFFFF0000, v17  }
0xc5: {  	v61 =	vld [tilespmem:s29+$0xFFFFFFE0];
	v57 =	vcvt.s32.f32 v26;
	v18 =	vmul.f32 v18, v51;
	v6 =	vand.u32 $0xFFFF0000, v6  }
0xc6: {  	v16 =	vshll.u32 v16, $0x10;
	v53 =	vld.idx.msk [tilespmem:v28+s2+$0x0], $0xffff;
	v3 =	vmul.f32 v17, v3;
	v6 =	vmul.f32 v6, v11  }
0xc7: {  	v49 =	vsub.f32 v8, v39;
	v22 =	vld.idx.msk [tilespmem:v22+s2+$0x0], $0xffff;
	v9 =	vmul.f32 v54, v9;
	v40 =	vcvt.s32.f32 v62  }
0xc8: {  	v36 =	vld.idx.msk [tilespmem:v25+s2+$0x0], $0xffff;
	v45 =	vsub.f32 v10, v41;
	v31 =	vcvt.s32.f32 v50;
	v3 =	vadd.f32 v30, v3  }
0xc9: {  	v14 =	vmul.f32 v14, v48;
	v11 =	vld.idx.msk [tilespmem:v63+s2+$0x0], $0xffff;
	v6 =	vadd.f32 v32, v6;
	v9 =	vadd.f32 v16, v9  }
0xca: {  	v44 =	vsub.f32 v0, v40;
	v46 =	vld.idx.msk [tilespmem:v24+s2+$0x0], $0xffff;
	v56 =	vsub.f32 v15, v31;
	v3 =	vmul.f32 v3, v35  }
0xcb: {  	s28 =	sadd.s32 $0x80, s28;
	v30 =	vld.idx.msk [tilespmem:v26+s2+$0x0], $0xffff;
	v31 =	vsub.f32 v5, v57;
	v6 =	vmul.f32 v6, v55;
	v9 =	vmul.f32 v9, v61  }
0xcc: {  	v60 =	vld [tilespmem:s28+$0x20];
	v59 =	vand.u32 $0xFFFF0000, v53;
	v7 =	vshll.u32 v53, $0x10;
	v37 =	vand.u32 $0xFFFF0000, v22  }
0xcd: {  	v58 =	vld.idx.msk [tilespmem:v50+s2+$0x0], $0xffff;
	v47 =	vand.u32 $0xFFFF0000, v36;
	v48 =	vshll.u32 v22, $0x10;
	v12 =	vmul.f32 v59, v12  }
0xce: {  	v33 =	vld [tilespmem:s28+$0xFFFFFFC0];
	[tilespmem:s25+$0xFFFFFFD0] =	vst v13;
	v51 =	vshll.u32 v36, $0x10;
	v2 =	vmul.f32 v37, v2;
	v1 =	vmul.f32 v47, v1  }
0xcf: {  	v52 =	vld [tilespmem:s28+$0x30];
	[tilespmem:s25+$0xFFFFFFC0] =	vst v4;
	v54 =	vand.u32 $0xFFFF0000, v11;
	v11 =	vshll.u32 v11, $0x10;
	v57 =	vand.u32 $0xFFFF0000, v46  }
0xd0: {  	[tilespmem:s25+$0xFFFFFFF0] =	vst v18;
	v21 =	vld.idx.msk [tilespmem:v62+s2+$0x0], $0xffff;
	v13 =	vshll.u32 v46, $0x10;
	v7 =	vadd.f32 v7, v12;
	v43 =	vshll.u32 v30, $0x10  }
0xd1: {  	[tilespmem:s25+$0x30] =	vst v14;
	v55 =	vld [tilespmem:s28+$0x0];
	v12 =	vand.u32 $0xFFFF0000, v30;
	v2 =	vadd.f32 v48, v2;
	v1 =	vadd.f32 v51, v1  }
0xd2: {  	v50 =	vld [tilespmem:s28+$0xFFFFFFF0];
	[tilespmem:s25+$0x10] =	vst v3;
	v8 =	vmul.f32 v57, v45;
	v5 =	vmul.f32 v12, v31;
	v35 =	vand.u32 $0xFFFF0000, v58  }
0xd3: {  	v38 =	vld [tilespmem:s28+$0xFFFFFFD0];
	[tilespmem:s25+$0x0] =	vst v6;
	v7 =	vmul.f32 v7, v60;
	v17 =	vshll.u32 v58, $0x10;
	v2 =	vmul.f32 v2, v33  }
0xd4: {  	s26 =	sadd.s32 $0x80, s26;
	v53 =	vld [tilespmem:s28+$0x10];
	[tilespmem:s25+$0xFFFFFFE0] =	vst v9;
	v1 =	vmul.f32 v1, v52;
	v62 =	vadd.f32 v13, v8;
	v15 =	vmul.f32 v35, v56  }
0xd5: {  	v58 =	vld [tilespmem:s28+$0xFFFFFFE0];
	v5 =	vadd.f32 v43, v5;
	v56 =	vand.u32 $0xFFFF0000, v21;
	[tilespmem:s26+$0x20] =	vst v7;
	v7 =	vmul.f32 v54, v49  }
0xd6: {  	v0 =	vmul.f32 v56, v44;
	[tilespmem:s26+$0xFFFFFFC0] =	vst v2;
	v63 =	vmul.f32 v62, v55;
	v42 =	vadd.f32 v17, v15  }
0xd7: {  	v61 =	vshll.u32 v21, $0x10;
	[tilespmem:s26+$0x30] =	vst v1;
	v59 =	vmul.f32 v5, v50;
	v60 =	vadd.f32 v11, v7  }
0xd8: {  	v0 =	vadd.f32 v61, v0;
	[tilespmem:s26+$0x0] =	vst v63;
	v4 =	vmul.f32 v42, v38  }
0xd9: {  	[tilespmem:s26+$0xFFFFFFF0] =	vst v59;
	v3 =	vmul.f32 v60, v53  }
0xda: {  	v0 =	vmul.f32 v0, v58;
	[tilespmem:s26+$0xFFFFFFD0] =	vst v4  }
0xdb: {  	[tilespmem:s26+$0x10] =	vst v3  }
0xdc: {  	s24 =	sadd.s32 $0x1, s24;
	[tilespmem:s26+$0xFFFFFFE0] =	vst v0  }
0xdd: {  	[hbm4b:s10+s2] =	stream.linear.scatter [tilespmem:s21], [sflag:$0x5], $0x3E80, $0x38;
	[tilespmem:$0x19700] =	vst v63  }
0xde: {  	p0 =	sne.s32 s24, s11;
	_ =	swait.ge [sflag:s22], $0x3E80  }
.Ltmp2:
0xdf: {  	[sflag:s22] =	ssyncset.done $0x0;
	(pc) =	sbr.rel @p0 .LBB2_1-.Ltmp2, $4  }
0xe0: {  	[sflag:s22] =	ssyncadd.s32 $0xFFFFC180  }
0xe1: {  	_ =	swait.ge [sflag:s23], $0x3E80  }
0xe2: {  	[sflag:s23] =	ssyncset.done $0x0  }
0xe3: {  	[sflag:s23] =	ssyncadd.s32 $0xFFFFC180  }
0xe4: {  	_ =	sfence.sel $0x180000  }
0xe5: {  	[bflag:$0x0] =	sbarrier.arrive $0xFFFF  }
0xe6: {  	p0 =	sne.s32 s0, $0x0;
	_ =	strace $0x90000047  }
0xe7: {  	s0 =	sadd.s32 @!p0 $0x100000, s1;
	[bflag:$0x2] =	sbarrier.arrive $0xFFFF  }
0xe8: {  	[sflag:s0] =	ssyncadd.tile.s32 @!p0 $0x1;
	_ =	shalt  }
.Lfunc_end2:
_tile_overlayer_lowered:
.L_overlay_start_2:
0xe9: {  	(tag) =	ssettag $0x2  }
0xea: {  	s0 =	rddreg [dreg:$0x0];
	s2 =	stileid.u32  }
0xeb: {  	s1 =	rddreg [dreg:$0x1];
	p0 =	sne.s32 s2, $0x0  }
0xec: {  	s3 =	rddreg [dreg:$0x2];
	[bflag:$0x3] =	sbarrier.arrive $0xFFFF;
	s2 =	simm.s32 @!p0 $0x1C06  }
0xed: {  	[timem:s3], [sflag:s2] =	dma.local @!p0 [hbm:s0], s1  }
0xee: {  	s0 =	simm.s32 @!p0 $0x6  }
0xef: {  	_ =	swait.ge @!p0 [sflag:s0], s1  }
0xf0: {  	s1 =	ssub.s32 @!p0 $0x0, s1;
	[sflag:s0] =	ssyncset.done @!p0 $0x0  }
0xf1: {  	[sflag:s0] =	ssyncadd.s32 @!p0 s1  }
0xf2: {  	[bflag:$0x3] =	sbarrier.arrive $0xFFFF  }
0xf3: {  	_ =	shalt  }

</sc_bundles>
